<compile_context>
chip_gen: v7x
topology: tpu7x:2x2x1
jax: 0.10.2.dev20260603
libtpu: 0.0.44.dev20260713+nightly
codegen_flags: <defaults>
</compile_context>

<pallas_src>
import functools

import jax
import jax.numpy as jnp
from jax import lax
from jax.experimental import pallas as pl
from jax.experimental.pallas import tpu as pltpu
from jax.experimental.pallas import tpu_sc as plsc

N = 10000
E = 320000
D = 128
HP = 8
NW = 32
EPW = E // NW
CH = 80
NCH = EPW // CH
RPT = N // 16


def _head_body(x_ref, w_ref, b_ref, g_ref, be_ref, h_ref):
    w = jnp.pad(w_ref[...], ((0, 0), (0, HP - w_ref.shape[1])))
    b = jnp.pad(b_ref[...], ((0, 0), (0, HP - b_ref.shape[1])))
    g = jnp.pad(g_ref[...], ((0, 0), (0, HP - g_ref.shape[1])))
    be = jnp.pad(be_ref[...], ((0, 0), (0, HP - be_ref.shape[1])))
    y = jnp.dot(x_ref[...], w, preferred_element_type=jnp.float32) + b
    mean = jnp.mean(y, axis=0, keepdims=True)
    var = jnp.mean(y * y, axis=0, keepdims=True) - mean * mean
    scale = g * lax.rsqrt(var + 1e-5)
    shift = be - mean * scale
    h_ref[...] = jnp.maximum(y * scale + shift, 0.0)


def _head(x, w, b, g, be):
    return pl.pallas_call(
        _head_body,
        out_shape=jax.ShapeDtypeStruct((N, HP), jnp.float32),
    )(x, w, b, g, be)


U = 5
NI = NCH // U


def _seg_body(h_hbm, src_hbm, dst_hbm, zrow_hbm, out_hbm,
              h_sh, acc_sh, idx_s, idx_d, rows, stsem, gsem, ssem):
    cid = lax.axis_index("c")
    sid = lax.axis_index("s")
    sl = pl.ds(sid * RPT, RPT)
    w = sid * 2 + cid
    c1 = pltpu.async_copy(h_hbm.at[sl], h_sh.at[sl], stsem)

    @pl.when(cid == 0)
    def _():
        pltpu.async_copy(h_hbm.at[sl], acc_sh.at[sl], stsem)

    @pl.when(cid == 1)
    def _():
        pltpu.async_copy(zrow_hbm, acc_sh.at[sl], stsem)

    c3 = pltpu.async_copy(src_hbm.at[w], idx_s, gsem)
    c4 = pltpu.async_copy(dst_hbm.at[w], idx_d, gsem)
    c1.wait()
    pltpu.make_async_copy(zrow_hbm, acc_sh.at[sl], stsem).wait()
    plsc.subcore_barrier()
    c3.wait(); c4.wait()

    def step(i, carry):
        base = i * U
        gcps = [pltpu.async_copy(h_sh.at[idx_s.at[base + u]],
                                 rows.at[pl.ds(u * CH, CH)], gsem)
                for u in range(U)]
        for cp in gcps:
            cp.wait()
        scps = [pltpu.async_copy(rows.at[pl.ds(u * CH, CH)],
                                 acc_sh.at[idx_d.at[base + u]], ssem,
                                 add=True)
                for u in range(U)]
        for cp in scps:
            cp.wait()
        return carry

    lax.fori_loop(0, NI, step, 0)
    plsc.subcore_barrier()
    pltpu.sync_copy(acc_sh.at[sl], out_hbm.at[cid, sl])


def _segment_sum(h, src_r, dst_r, zrow):
    mesh = plsc.VectorSubcoreMesh(core_axis_name="c", subcore_axis_name="s")
    f = functools.partial(
        pl.kernel,
        out_type=jax.ShapeDtypeStruct((2, N, HP), jnp.float32),
        mesh=mesh,
        scratch_types=[
            pltpu.VMEM_SHARED((N, HP), jnp.float32),
            pltpu.VMEM_SHARED((N, HP), jnp.float32),
            pltpu.VMEM((NCH, CH), jnp.int32),
            pltpu.VMEM((NCH, CH), jnp.int32),
            pltpu.VMEM((U * CH, HP), jnp.float32),
            pltpu.SemaphoreType.DMA,
            pltpu.SemaphoreType.DMA,
            pltpu.SemaphoreType.DMA,
        ],
        compiler_params=pltpu.CompilerParams(use_tc_tiling_on_sc=False),
    )(_seg_body)
    return f(h, src_r, dst_r, zrow)


def _tail_body(h_ref, p_ref, wg_ref, bg_ref, gg_ref, bgg_ref,
               wl_ref, bl_ref, wt_ref, bt_ref, out_ref, feat_ref):
    hpad = HP - wg_ref.shape[0]
    wg = jnp.pad(wg_ref[...], ((0, hpad), (0, hpad)))
    bg = jnp.pad(bg_ref[...], ((0, 0), (0, hpad)))
    gg = jnp.pad(gg_ref[...], ((0, 0), (0, hpad)))
    bgg = jnp.pad(bgg_ref[...], ((0, 0), (0, hpad)))
    wl = jnp.pad(wl_ref[...], ((0, hpad), (0, hpad)))
    bl = jnp.pad(bl_ref[...], ((0, 0), (0, hpad)))
    wt = jnp.pad(wt_ref[...], ((0, hpad), (0, 0)))
    m = p_ref[0] + p_ref[1]
    y = jnp.dot(m, wg, preferred_element_type=jnp.float32) + bg
    mean = jnp.mean(y, axis=0, keepdims=True)
    var = jnp.mean(y * y, axis=0, keepdims=True) - mean * mean
    scale = gg * lax.rsqrt(var + 1e-5)
    shift = bgg - mean * scale
    h2 = jnp.maximum(y * scale + shift, 0.0)
    feat = jnp.dot(h2, wl, preferred_element_type=jnp.float32) + bl
    feat_ref[...] = feat[:, :feat_ref.shape[1]]
    out_ref[...] = (
        jnp.dot(feat, wt, preferred_element_type=jnp.float32)
        + bt_ref[...])


def _tail(h, part, wg, bg, gg, bgg, wl, bl, wt, bt, hdim, tdim):
    return pl.pallas_call(
        _tail_body,
        out_shape=(jax.ShapeDtypeStruct((N, tdim), jnp.float32),
                   jax.ShapeDtypeStruct((N, hdim), jnp.float32)),
    )(h, part, wg, bg, gg, bgg, wl, bl, wt, bt)


def kernel(x, edge_index, batch, W0, b0, g0, be0, Wg, bg, gg, bgg,
           Wl, bl, Wt, bt):
    H = W0.shape[1]
    T = Wt.shape[1]
    h = _head(x, W0, b0.reshape(1, H), g0.reshape(1, H), be0.reshape(1, H))

    src_r = edge_index[0].reshape(NW, NCH, CH)
    dst_r = edge_index[1].reshape(NW, NCH, CH)
    zrow = jnp.zeros((RPT, HP), jnp.float32)
    part = _segment_sum(h, src_r, dst_r, zrow)

    out, feat = _tail(h, part, Wg, bg.reshape(1, H), gg.reshape(1, H),
                      bgg.reshape(1, H), Wl, bl.reshape(1, H), Wt,
                      bt.reshape(1, T), H, T)
    return (out, feat)

# --- scband reference (transcript-rebuilt; emitter-appended) ---
"""Pipeline reference for scband-slide-graph-arch-12953621365179 (READ-ONLY COPY).

The authoritative reference and input builder live on the scoring server;
editing this copy changes nothing except your own understanding.
"""

import jax, jax.numpy as jnp
import numpy as np

N = 10000
E = 320000
D = 128
H = 6
T = 1


def _bn(x, gamma, beta):
    # BatchNorm1d in training mode: batch statistics (biased variance)
    mean = jnp.mean(x, axis=0)
    var = jnp.var(x, axis=0)
    return gamma * (x - mean) / jnp.sqrt(var + 1e-5) + beta


def setup_inputs(seed: int = 0) -> dict:
    key = jax.random.key(seed)
    ks = jax.random.split(key, 16)
    x = jax.random.normal(ks[0], (N, D), dtype=jnp.float32)
    edge_index = jax.random.randint(ks[1], (2, E), 0, N, dtype=jnp.int32)
    batch = jnp.zeros((N,), dtype=jnp.int32)
    # head: Linear(D, H) + BN(H)
    W0 = jax.random.normal(ks[2], (D, H), jnp.float32) / np.sqrt(D)
    b0 = jnp.zeros((H,), jnp.float32)
    g0 = jnp.ones((H,), jnp.float32)
    be0 = jnp.zeros((H,), jnp.float32)
    # GINConv internal MLP block: Linear(H, H) + BN(H) (eps=0, train_eps=False)
    Wg = jax.random.normal(ks[3], (H, H), jnp.float32) / np.sqrt(H)
    bg = jnp.zeros((H,), jnp.float32)
    gg = jnp.ones((H,), jnp.float32)
    bgg = jnp.zeros((H,), jnp.float32)
    # post-conv linear: Linear(H, H)
    Wl = jax.random.normal(ks[4], (H, H), jnp.float32) / np.sqrt(H)
    bl = jnp.zeros((H,), jnp.float32)
    # tail: Linear(H, T) (GINConv branch uses plain Linear)
    Wt = jax.random.normal(ks[5], (H, T), jnp.float32) / np.sqrt(H)
    bt = jnp.zeros((T,), jnp.float32)
    return {"x": x, "edge_index": edge_index, "batch": batch,
            "W0": W0, "b0": b0, "g0": g0, "be0": be0,
            "Wg": Wg, "bg": bg, "gg": gg, "bgg": bgg,
            "Wl": Wl, "bl": bl, "Wt": Wt, "bt": bt}


def reference(x, edge_index, batch, W0, b0, g0, be0, Wg, bg, gg, bgg, Wl, bl, Wt, bt):
    # head block: Linear -> BN -> ReLU
    h = jax.nn.relu(_bn(x @ W0 + b0, g0, be0))
    # dropout p=0.0 -> identity
    # GINConv: out_i = MLP((1 + eps) * x_i + sum_{j in N(i)} x_j), eps = 0
    src = edge_index[0]
    dst = edge_index[1]
    agg = jax.ops.segment_sum(h[src], dst, num_segments=N)
    m = h + agg
    h2 = jax.nn.relu(_bn(m @ Wg + bg, gg, bgg))
    # linears[0]: plain Linear(H, H)
    feature = h2 @ Wl + bl
    # tail: Linear(H, T)
    out = feature @ Wt + bt
    return (out, feature)

if __name__ == "__main__":
    import jax
    _d = setup_inputs()
    print(jax.jit(kernel)(*tuple(_d.values())))

</pallas_src>

<mosaic_0001>
#map = affine_map<(d0, d1) -> (0, 0)>
#map1 = affine_map<(d0, d1) -> (0, 0, 0)>
module attributes {stable_mosaic.version = 14 : i64} {
  func.func @_seg_body(%arg0: i32, %arg1: i32, %arg2: memref<10000x8xf32, #tpu.memory_space<hbm>>, %arg3: memref<32x125x80xi32, #tpu.memory_space<hbm>>, %arg4: memref<32x125x80xi32, #tpu.memory_space<hbm>>, %arg5: memref<625x8xf32, #tpu.memory_space<hbm>>, %arg6: memref<2x10000x8xf32, #tpu.memory_space<hbm>>, %arg7: memref<10000x8xf32, #tpu.memory_space<vmem_shared>>, %arg8: memref<10000x8xf32, #tpu.memory_space<vmem_shared>>, %arg9: memref<125x80xi32, #tpu.memory_space<vmem>>, %arg10: memref<125x80xi32, #tpu.memory_space<vmem>>, %arg11: memref<400x8xf32, #tpu.memory_space<vmem>>, %arg12: memref<!tpu.dma_semaphore, #tpu.memory_space<semaphore_mem>>, %arg13: memref<!tpu.dma_semaphore, #tpu.memory_space<semaphore_mem>>, %arg14: memref<!tpu.dma_semaphore, #tpu.memory_space<semaphore_mem>>) attributes {dimension_semantics = [#tpu.dimension_semantics<core_parallel>, #tpu.dimension_semantics<subcore_parallel>], iteration_bounds = array<i64: 2, 16>, scalar_prefetch = 0 : i64, scratch_operands = 8 : i64, tpu.core_type = #tpu.core_type<sc_vector_subcore>, window_params = [{transform_indices = #map}, {transform_indices = #map1}, {transform_indices = #map1}, {transform_indices = #map}, {transform_indices = #map1}]} {
    %mul3A = arith.constant 625 : i32
    %mul3A_0 = arith.muli %arg1, %mul3A : i32
    %mul3A_1 = arith.constant 2 : i32
    %mul3A_2 = arith.muli %arg1, %mul3A_1 : i32
    %add3A = arith.addi %mul3A_2, %arg0 : i32
    %dma_start3A = arith.constant 0 : i32
    %dma_start3A_3 = tpu.memref_slice %arg7[%mul3A_0, %dma_start3A] : memref<10000x8xf32, #tpu.memory_space<vmem_shared>> -> memref<625x8xf32, #tpu.memory_space<vmem_shared>>
    %dma_start3A_4 = arith.constant 0 : i32
    %dma_start3A_5 = tpu.memref_slice %arg2[%mul3A_0, %dma_start3A_4] : memref<10000x8xf32, #tpu.memory_space<hbm>> -> memref<625x8xf32, #tpu.memory_space<hbm>>
    tpu.enqueue_dma source(%dma_start3A_5 : memref<625x8xf32, #tpu.memory_space<hbm>>) target(%dma_start3A_3 : memref<625x8xf32, #tpu.memory_space<vmem_shared>>) target_semaphore(%arg12 : memref<!tpu.dma_semaphore, #tpu.memory_space<semaphore_mem>>)
    %eq3A = arith.constant 0 : i32
    %eq3A_6 = arith.cmpi eq, %arg0, %eq3A : i32
    %convert_element_type3A = arith.extui %eq3A_6 : i1 to i32
    %cond3A = arith.constant 0 : i32
    %cond3A_7 = arith.cmpi ne, %convert_element_type3A, %cond3A : i32
    scf.if %cond3A_7 {
      %dma_start3A_56 = arith.constant 0 : i32
      %dma_start3A_57 = tpu.memref_slice %arg8[%mul3A_0, %dma_start3A_56] : memref<10000x8xf32, #tpu.memory_space<vmem_shared>> -> memref<625x8xf32, #tpu.memory_space<vmem_shared>>
      %dma_start3A_58 = arith.constant 0 : i32
      %dma_start3A_59 = tpu.memref_slice %arg2[%mul3A_0, %dma_start3A_58] : memref<10000x8xf32, #tpu.memory_space<hbm>> -> memref<625x8xf32, #tpu.memory_space<hbm>>
      tpu.enqueue_dma source(%dma_start3A_59 : memref<625x8xf32, #tpu.memory_space<hbm>>) target(%dma_start3A_57 : memref<625x8xf32, #tpu.memory_space<vmem_shared>>) target_semaphore(%arg12 : memref<!tpu.dma_semaphore, #tpu.memory_space<semaphore_mem>>)
    } else {
    }
    %eq3A_8 = arith.constant 1 : i32
    %eq3A_9 = arith.cmpi eq, %arg0, %eq3A_8 : i32
    %convert_element_type3A_10 = arith.extui %eq3A_9 : i1 to i32
    %cond3A_11 = arith.constant 0 : i32
    %cond3A_12 = arith.cmpi ne, %convert_element_type3A_10, %cond3A_11 : i32
    scf.if %cond3A_12 {
      %dma_start3A_56 = arith.constant 0 : i32
      %dma_start3A_57 = tpu.memref_slice %arg8[%mul3A_0, %dma_start3A_56] : memref<10000x8xf32, #tpu.memory_space<vmem_shared>> -> memref<625x8xf32, #tpu.memory_space<vmem_shared>>
      tpu.enqueue_dma source(%arg5 : memref<625x8xf32, #tpu.memory_space<hbm>>) target(%dma_start3A_57 : memref<625x8xf32, #tpu.memory_space<vmem_shared>>) target_semaphore(%arg12 : memref<!tpu.dma_semaphore, #tpu.memory_space<semaphore_mem>>)
    } else {
    }
    %dma_start3A_13 = arith.constant 0 : i32
    %dma_start3A_14 = arith.constant 0 : i32
    %dma_start3A_15 = tpu.memref_slice %arg3[%add3A, %dma_start3A_13, %dma_start3A_14] : memref<32x125x80xi32, #tpu.memory_space<hbm>> -> memref<1x125x80xi32, #tpu.memory_space<hbm>>
    %dma_start3A_16 = tpu.memref_squeeze %dma_start3A_15 : memref<1x125x80xi32, #tpu.memory_space<hbm>> -> memref<125x80xi32, #tpu.memory_space<hbm>>
    %dma_start3A_17 = arith.constant 0 : i32
    %dma_start3A_18 = arith.constant 0 : i32
    %dma_start3A_19 = tpu.memref_slice %arg3[%add3A, %dma_start3A_17, %dma_start3A_18] : memref<32x125x80xi32, #tpu.memory_space<hbm>> -> memref<1x125x80xi32, #tpu.memory_space<hbm>>
    %dma_start3A_20 = tpu.memref_squeeze %dma_start3A_19 : memref<1x125x80xi32, #tpu.memory_space<hbm>> -> memref<125x80xi32, #tpu.memory_space<hbm>>
    tpu.enqueue_dma source(%dma_start3A_20 : memref<125x80xi32, #tpu.memory_space<hbm>>) target(%arg9 : memref<125x80xi32, #tpu.memory_space<vmem>>) target_semaphore(%arg13 : memref<!tpu.dma_semaphore, #tpu.memory_space<semaphore_mem>>)
    %dma_start3A_21 = arith.constant 0 : i32
    %dma_start3A_22 = arith.constant 0 : i32
    %dma_start3A_23 = tpu.memref_slice %arg4[%add3A, %dma_start3A_21, %dma_start3A_22] : memref<32x125x80xi32, #tpu.memory_space<hbm>> -> memref<1x125x80xi32, #tpu.memory_space<hbm>>
    %dma_start3A_24 = tpu.memref_squeeze %dma_start3A_23 : memref<1x125x80xi32, #tpu.memory_space<hbm>> -> memref<125x80xi32, #tpu.memory_space<hbm>>
    %dma_start3A_25 = arith.constant 0 : i32
    %dma_start3A_26 = arith.constant 0 : i32
    %dma_start3A_27 = tpu.memref_slice %arg4[%add3A, %dma_start3A_25, %dma_start3A_26] : memref<32x125x80xi32, #tpu.memory_space<hbm>> -> memref<1x125x80xi32, #tpu.memory_space<hbm>>
    %dma_start3A_28 = tpu.memref_squeeze %dma_start3A_27 : memref<1x125x80xi32, #tpu.memory_space<hbm>> -> memref<125x80xi32, #tpu.memory_space<hbm>>
    tpu.enqueue_dma source(%dma_start3A_28 : memref<125x80xi32, #tpu.memory_space<hbm>>) target(%arg10 : memref<125x80xi32, #tpu.memory_space<vmem>>) target_semaphore(%arg13 : memref<!tpu.dma_semaphore, #tpu.memory_space<semaphore_mem>>)
    %dma_wait3A = arith.constant 0 : i32
    %dma_wait3A_29 = tpu.memref_slice %arg7[%mul3A_0, %dma_wait3A] : memref<10000x8xf32, #tpu.memory_space<vmem_shared>> -> memref<625x8xf32, #tpu.memory_space<vmem_shared>>
    %dma_wait3A_30 = arith.constant 0 : i32
    %dma_wait3A_31 = tpu.memref_slice %arg2[%mul3A_0, %dma_wait3A_30] : memref<10000x8xf32, #tpu.memory_space<hbm>> -> memref<625x8xf32, #tpu.memory_space<hbm>>
    tpu.wait_dma2 semaphore(%arg12 : memref<!tpu.dma_semaphore, #tpu.memory_space<semaphore_mem>>) src(%dma_wait3A_31 : memref<625x8xf32, #tpu.memory_space<hbm>>) dst(%dma_wait3A_29 : memref<625x8xf32, #tpu.memory_space<vmem_shared>>)
    %dma_wait3A_32 = arith.constant 0 : i32
    %dma_wait3A_33 = tpu.memref_slice %arg8[%mul3A_0, %dma_wait3A_32] : memref<10000x8xf32, #tpu.memory_space<vmem_shared>> -> memref<625x8xf32, #tpu.memory_space<vmem_shared>>
    tpu.wait_dma2 semaphore(%arg12 : memref<!tpu.dma_semaphore, #tpu.memory_space<semaphore_mem>>) src(%arg5 : memref<625x8xf32, #tpu.memory_space<hbm>>) dst(%dma_wait3A_33 : memref<625x8xf32, #tpu.memory_space<vmem_shared>>)
    %barrier3A = arith.constant 0 : index
    tpu.barrier barrier_id(%barrier3A)
    %dma_wait3A_34 = arith.constant 0 : i32
    %dma_wait3A_35 = arith.constant 0 : i32
    %dma_wait3A_36 = tpu.memref_slice %arg3[%add3A, %dma_wait3A_34, %dma_wait3A_35] : memref<32x125x80xi32, #tpu.memory_space<hbm>> -> memref<1x125x80xi32, #tpu.memory_space<hbm>>
    %dma_wait3A_37 = tpu.memref_squeeze %dma_wait3A_36 : memref<1x125x80xi32, #tpu.memory_space<hbm>> -> memref<125x80xi32, #tpu.memory_space<hbm>>
    %dma_wait3A_38 = arith.constant 0 : i32
    %dma_wait3A_39 = arith.constant 0 : i32
    %dma_wait3A_40 = tpu.memref_slice %arg3[%add3A, %dma_wait3A_38, %dma_wait3A_39] : memref<32x125x80xi32, #tpu.memory_space<hbm>> -> memref<1x125x80xi32, #tpu.memory_space<hbm>>
    %dma_wait3A_41 = tpu.memref_squeeze %dma_wait3A_40 : memref<1x125x80xi32, #tpu.memory_space<hbm>> -> memref<125x80xi32, #tpu.memory_space<hbm>>
    tpu.wait_dma2 semaphore(%arg13 : memref<!tpu.dma_semaphore, #tpu.memory_space<semaphore_mem>>) src(%dma_wait3A_41 : memref<125x80xi32, #tpu.memory_space<hbm>>) dst(%arg9 : memref<125x80xi32, #tpu.memory_space<vmem>>)
    %dma_wait3A_42 = arith.constant 0 : i32
    %dma_wait3A_43 = arith.constant 0 : i32
    %dma_wait3A_44 = tpu.memref_slice %arg4[%add3A, %dma_wait3A_42, %dma_wait3A_43] : memref<32x125x80xi32, #tpu.memory_space<hbm>> -> memref<1x125x80xi32, #tpu.memory_space<hbm>>
    %dma_wait3A_45 = tpu.memref_squeeze %dma_wait3A_44 : memref<1x125x80xi32, #tpu.memory_space<hbm>> -> memref<125x80xi32, #tpu.memory_space<hbm>>
    %dma_wait3A_46 = arith.constant 0 : i32
    %dma_wait3A_47 = arith.constant 0 : i32
    %dma_wait3A_48 = tpu.memref_slice %arg4[%add3A, %dma_wait3A_46, %dma_wait3A_47] : memref<32x125x80xi32, #tpu.memory_space<hbm>> -> memref<1x125x80xi32, #tpu.memory_space<hbm>>
    %dma_wait3A_49 = tpu.memref_squeeze %dma_wait3A_48 : memref<1x125x80xi32, #tpu.memory_space<hbm>> -> memref<125x80xi32, #tpu.memory_space<hbm>>
    tpu.wait_dma2 semaphore(%arg13 : memref<!tpu.dma_semaphore, #tpu.memory_space<semaphore_mem>>) src(%dma_wait3A_49 : memref<125x80xi32, #tpu.memory_space<hbm>>) dst(%arg10 : memref<125x80xi32, #tpu.memory_space<vmem>>)
    %scan3A = arith.constant 0 : i32
    %scan3A_50 = arith.constant 0 : i32
    %scan3A_51 = arith.constant 25 : i32
    %scan3A_52 = arith.addi %scan3A_50, %scan3A_51 : i32
    %scan3A_53 = arith.constant 1 : i32
    scf.for %scan3A_56 = %scan3A_50 to %scan3A_52 step %scan3A_53  : i32 {
      %mul3A_57 = arith.constant 5 : i32
      %mul3A_58 = arith.muli %scan3A_56, %mul3A_57 : i32
      %add3A_59 = arith.constant 0 : i32
      %add3A_60 = arith.addi %mul3A_58, %add3A_59 : i32
      %dma_start3A_61 = arith.constant 0 : i32
      %dma_start3A_62 = arith.constant 0 : i32
      %dma_start3A_63 = tpu.memref_slice %arg11[%dma_start3A_61, %dma_start3A_62] : memref<400x8xf32, #tpu.memory_space<vmem>> -> memref<80x8xf32, #tpu.memory_space<vmem>>
      %dma_start3A_64 = arith.constant 0 : i32
      %dma_start3A_65 = tpu.memref_slice %arg9[%add3A_60, %dma_start3A_64] : memref<125x80xi32, #tpu.memory_space<vmem>> -> memref<1x80xi32, #tpu.memory_space<vmem>>
      %dma_start3A_66 = tpu.memref_squeeze %dma_start3A_65 : memref<1x80xi32, #tpu.memory_space<vmem>> -> memref<80xi32, #tpu.memory_space<vmem>>
      %dma_start3A_67 = arith.constant 0 : i32
      %dma_start3A_68 = arith.constant 0 : i32
      %dma_start3A_69 = tpu.memref_slice %arg7[%dma_start3A_67, %dma_start3A_68] : memref<10000x8xf32, #tpu.memory_space<vmem_shared>> -> memref<10000x8xf32, #tpu.memory_space<vmem_shared>>
      tpu.enqueue_indirect_dma source(%dma_start3A_69 : memref<10000x8xf32, #tpu.memory_space<vmem_shared>>) target(%dma_start3A_63 : memref<80x8xf32, #tpu.memory_space<vmem>>) offsets(%dma_start3A_66 : memref<80xi32, #tpu.memory_space<vmem>>) semaphore(%arg13 : memref<!tpu.dma_semaphore, #tpu.memory_space<semaphore_mem>>)
      %add3A_70 = arith.constant 1 : i32
      %add3A_71 = arith.addi %mul3A_58, %add3A_70 : i32
      %dma_start3A_72 = arith.constant 80 : i32
      %dma_start3A_73 = arith.constant 0 : i32
      %dma_start3A_74 = tpu.memref_slice %arg11[%dma_start3A_72, %dma_start3A_73] : memref<400x8xf32, #tpu.memory_space<vmem>> -> memref<80x8xf32, #tpu.memory_space<vmem>>
      %dma_start3A_75 = arith.constant 0 : i32
      %dma_start3A_76 = tpu.memref_slice %arg9[%add3A_71, %dma_start3A_75] : memref<125x80xi32, #tpu.memory_space<vmem>> -> memref<1x80xi32, #tpu.memory_space<vmem>>
      %dma_start3A_77 = tpu.memref_squeeze %dma_start3A_76 : memref<1x80xi32, #tpu.memory_space<vmem>> -> memref<80xi32, #tpu.memory_space<vmem>>
      %dma_start3A_78 = arith.constant 0 : i32
      %dma_start3A_79 = arith.constant 0 : i32
      %dma_start3A_80 = tpu.memref_slice %arg7[%dma_start3A_78, %dma_start3A_79] : memref<10000x8xf32, #tpu.memory_space<vmem_shared>> -> memref<10000x8xf32, #tpu.memory_space<vmem_shared>>
      tpu.enqueue_indirect_dma source(%dma_start3A_80 : memref<10000x8xf32, #tpu.memory_space<vmem_shared>>) target(%dma_start3A_74 : memref<80x8xf32, #tpu.memory_space<vmem>>) offsets(%dma_start3A_77 : memref<80xi32, #tpu.memory_space<vmem>>) semaphore(%arg13 : memref<!tpu.dma_semaphore, #tpu.memory_space<semaphore_mem>>)
      %add3A_81 = arith.constant 2 : i32
      %add3A_82 = arith.addi %mul3A_58, %add3A_81 : i32
      %dma_start3A_83 = arith.constant 160 : i32
      %dma_start3A_84 = arith.constant 0 : i32
      %dma_start3A_85 = tpu.memref_slice %arg11[%dma_start3A_83, %dma_start3A_84] : memref<400x8xf32, #tpu.memory_space<vmem>> -> memref<80x8xf32, #tpu.memory_space<vmem>>
      %dma_start3A_86 = arith.constant 0 : i32
      %dma_start3A_87 = tpu.memref_slice %arg9[%add3A_82, %dma_start3A_86] : memref<125x80xi32, #tpu.memory_space<vmem>> -> memref<1x80xi32, #tpu.memory_space<vmem>>
      %dma_start3A_88 = tpu.memref_squeeze %dma_start3A_87 : memref<1x80xi32, #tpu.memory_space<vmem>> -> memref<80xi32, #tpu.memory_space<vmem>>
      %dma_start3A_89 = arith.constant 0 : i32
      %dma_start3A_90 = arith.constant 0 : i32
      %dma_start3A_91 = tpu.memref_slice %arg7[%dma_start3A_89, %dma_start3A_90] : memref<10000x8xf32, #tpu.memory_space<vmem_shared>> -> memref<10000x8xf32, #tpu.memory_space<vmem_shared>>
      tpu.enqueue_indirect_dma source(%dma_start3A_91 : memref<10000x8xf32, #tpu.memory_space<vmem_shared>>) target(%dma_start3A_85 : memref<80x8xf32, #tpu.memory_space<vmem>>) offsets(%dma_start3A_88 : memref<80xi32, #tpu.memory_space<vmem>>) semaphore(%arg13 : memref<!tpu.dma_semaphore, #tpu.memory_space<semaphore_mem>>)
      %add3A_92 = arith.constant 3 : i32
      %add3A_93 = arith.addi %mul3A_58, %add3A_92 : i32
      %dma_start3A_94 = arith.constant 240 : i32
      %dma_start3A_95 = arith.constant 0 : i32
      %dma_start3A_96 = tpu.memref_slice %arg11[%dma_start3A_94, %dma_start3A_95] : memref<400x8xf32, #tpu.memory_space<vmem>> -> memref<80x8xf32, #tpu.memory_space<vmem>>
      %dma_start3A_97 = arith.constant 0 : i32
      %dma_start3A_98 = tpu.memref_slice %arg9[%add3A_93, %dma_start3A_97] : memref<125x80xi32, #tpu.memory_space<vmem>> -> memref<1x80xi32, #tpu.memory_space<vmem>>
      %dma_start3A_99 = tpu.memref_squeeze %dma_start3A_98 : memref<1x80xi32, #tpu.memory_space<vmem>> -> memref<80xi32, #tpu.memory_space<vmem>>
      %dma_start3A_100 = arith.constant 0 : i32
      %dma_start3A_101 = arith.constant 0 : i32
      %dma_start3A_102 = tpu.memref_slice %arg7[%dma_start3A_100, %dma_start3A_101] : memref<10000x8xf32, #tpu.memory_space<vmem_shared>> -> memref<10000x8xf32, #tpu.memory_space<vmem_shared>>
      tpu.enqueue_indirect_dma source(%dma_start3A_102 : memref<10000x8xf32, #tpu.memory_space<vmem_shared>>) target(%dma_start3A_96 : memref<80x8xf32, #tpu.memory_space<vmem>>) offsets(%dma_start3A_99 : memref<80xi32, #tpu.memory_space<vmem>>) semaphore(%arg13 : memref<!tpu.dma_semaphore, #tpu.memory_space<semaphore_mem>>)
      %add3A_103 = arith.constant 4 : i32
      %add3A_104 = arith.addi %mul3A_58, %add3A_103 : i32
      %dma_start3A_105 = arith.constant 320 : i32
      %dma_start3A_106 = arith.constant 0 : i32
      %dma_start3A_107 = tpu.memref_slice %arg11[%dma_start3A_105, %dma_start3A_106] : memref<400x8xf32, #tpu.memory_space<vmem>> -> memref<80x8xf32, #tpu.memory_space<vmem>>
      %dma_start3A_108 = arith.constant 0 : i32
      %dma_start3A_109 = tpu.memref_slice %arg9[%add3A_104, %dma_start3A_108] : memref<125x80xi32, #tpu.memory_space<vmem>> -> memref<1x80xi32, #tpu.memory_space<vmem>>
      %dma_start3A_110 = tpu.memref_squeeze %dma_start3A_109 : memref<1x80xi32, #tpu.memory_space<vmem>> -> memref<80xi32, #tpu.memory_space<vmem>>
      %dma_start3A_111 = arith.constant 0 : i32
      %dma_start3A_112 = arith.constant 0 : i32
      %dma_start3A_113 = tpu.memref_slice %arg7[%dma_start3A_111, %dma_start3A_112] : memref<10000x8xf32, #tpu.memory_space<vmem_shared>> -> memref<10000x8xf32, #tpu.memory_space<vmem_shared>>
      tpu.enqueue_indirect_dma source(%dma_start3A_113 : memref<10000x8xf32, #tpu.memory_space<vmem_shared>>) target(%dma_start3A_107 : memref<80x8xf32, #tpu.memory_space<vmem>>) offsets(%dma_start3A_110 : memref<80xi32, #tpu.memory_space<vmem>>) semaphore(%arg13 : memref<!tpu.dma_semaphore, #tpu.memory_space<semaphore_mem>>)
      %dma_wait3A_114 = arith.constant 0 : i32
      %dma_wait3A_115 = arith.constant 0 : i32
      %dma_wait3A_116 = tpu.memref_slice %arg11[%dma_wait3A_114, %dma_wait3A_115] : memref<400x8xf32, #tpu.memory_space<vmem>> -> memref<80x8xf32, #tpu.memory_space<vmem>>
      %dma_wait3A_117 = arith.constant 0 : i32
      %dma_wait3A_118 = tpu.memref_slice %arg9[%add3A_60, %dma_wait3A_117] : memref<125x80xi32, #tpu.memory_space<vmem>> -> memref<1x80xi32, #tpu.memory_space<vmem>>
      %dma_wait3A_119 = tpu.memref_squeeze %dma_wait3A_118 : memref<1x80xi32, #tpu.memory_space<vmem>> -> memref<80xi32, #tpu.memory_space<vmem>>
      %dma_wait3A_120 = arith.constant 0 : i32
      %dma_wait3A_121 = arith.constant 0 : i32
      %dma_wait3A_122 = tpu.memref_slice %arg7[%dma_wait3A_120, %dma_wait3A_121] : memref<10000x8xf32, #tpu.memory_space<vmem_shared>> -> memref<10000x8xf32, #tpu.memory_space<vmem_shared>>
      tpu.wait_indirect_dma semaphore(%arg13 : memref<!tpu.dma_semaphore, #tpu.memory_space<semaphore_mem>>) src(%dma_wait3A_122 : memref<10000x8xf32, #tpu.memory_space<vmem_shared>>) dst(%dma_wait3A_116 : memref<80x8xf32, #tpu.memory_space<vmem>>)
      %dma_wait3A_123 = arith.constant 80 : i32
      %dma_wait3A_124 = arith.constant 0 : i32
      %dma_wait3A_125 = tpu.memref_slice %arg11[%dma_wait3A_123, %dma_wait3A_124] : memref<400x8xf32, #tpu.memory_space<vmem>> -> memref<80x8xf32, #tpu.memory_space<vmem>>
      %dma_wait3A_126 = arith.constant 0 : i32
      %dma_wait3A_127 = tpu.memref_slice %arg9[%add3A_71, %dma_wait3A_126] : memref<125x80xi32, #tpu.memory_space<vmem>> -> memref<1x80xi32, #tpu.memory_space<vmem>>
      %dma_wait3A_128 = tpu.memref_squeeze %dma_wait3A_127 : memref<1x80xi32, #tpu.memory_space<vmem>> -> memref<80xi32, #tpu.memory_space<vmem>>
      %dma_wait3A_129 = arith.constant 0 : i32
      %dma_wait3A_130 = arith.constant 0 : i32
      %dma_wait3A_131 = tpu.memref_slice %arg7[%dma_wait3A_129, %dma_wait3A_130] : memref<10000x8xf32, #tpu.memory_space<vmem_shared>> -> memref<10000x8xf32, #tpu.memory_space<vmem_shared>>
      tpu.wait_indirect_dma semaphore(%arg13 : memref<!tpu.dma_semaphore, #tpu.memory_space<semaphore_mem>>) src(%dma_wait3A_131 : memref<10000x8xf32, #tpu.memory_space<vmem_shared>>) dst(%dma_wait3A_125 : memref<80x8xf32, #tpu.memory_space<vmem>>)
      %dma_wait3A_132 = arith.constant 160 : i32
      %dma_wait3A_133 = arith.constant 0 : i32
      %dma_wait3A_134 = tpu.memref_slice %arg11[%dma_wait3A_132, %dma_wait3A_133] : memref<400x8xf32, #tpu.memory_space<vmem>> -> memref<80x8xf32, #tpu.memory_space<vmem>>
      %dma_wait3A_135 = arith.constant 0 : i32
      %dma_wait3A_136 = tpu.memref_slice %arg9[%add3A_82, %dma_wait3A_135] : memref<125x80xi32, #tpu.memory_space<vmem>> -> memref<1x80xi32, #tpu.memory_space<vmem>>
      %dma_wait3A_137 = tpu.memref_squeeze %dma_wait3A_136 : memref<1x80xi32, #tpu.memory_space<vmem>> -> memref<80xi32, #tpu.memory_space<vmem>>
      %dma_wait3A_138 = arith.constant 0 : i32
      %dma_wait3A_139 = arith.constant 0 : i32
      %dma_wait3A_140 = tpu.memref_slice %arg7[%dma_wait3A_138, %dma_wait3A_139] : memref<10000x8xf32, #tpu.memory_space<vmem_shared>> -> memref<10000x8xf32, #tpu.memory_space<vmem_shared>>
      tpu.wait_indirect_dma semaphore(%arg13 : memref<!tpu.dma_semaphore, #tpu.memory_space<semaphore_mem>>) src(%dma_wait3A_140 : memref<10000x8xf32, #tpu.memory_space<vmem_shared>>) dst(%dma_wait3A_134 : memref<80x8xf32, #tpu.memory_space<vmem>>)
      %dma_wait3A_141 = arith.constant 240 : i32
      %dma_wait3A_142 = arith.constant 0 : i32
      %dma_wait3A_143 = tpu.memref_slice %arg11[%dma_wait3A_141, %dma_wait3A_142] : memref<400x8xf32, #tpu.memory_space<vmem>> -> memref<80x8xf32, #tpu.memory_space<vmem>>
      %dma_wait3A_144 = arith.constant 0 : i32
      %dma_wait3A_145 = tpu.memref_slice %arg9[%add3A_93, %dma_wait3A_144] : memref<125x80xi32, #tpu.memory_space<vmem>> -> memref<1x80xi32, #tpu.memory_space<vmem>>
      %dma_wait3A_146 = tpu.memref_squeeze %dma_wait3A_145 : memref<1x80xi32, #tpu.memory_space<vmem>> -> memref<80xi32, #tpu.memory_space<vmem>>
      %dma_wait3A_147 = arith.constant 0 : i32
      %dma_wait3A_148 = arith.constant 0 : i32
      %dma_wait3A_149 = tpu.memref_slice %arg7[%dma_wait3A_147, %dma_wait3A_148] : memref<10000x8xf32, #tpu.memory_space<vmem_shared>> -> memref<10000x8xf32, #tpu.memory_space<vmem_shared>>
      tpu.wait_indirect_dma semaphore(%arg13 : memref<!tpu.dma_semaphore, #tpu.memory_space<semaphore_mem>>) src(%dma_wait3A_149 : memref<10000x8xf32, #tpu.memory_space<vmem_shared>>) dst(%dma_wait3A_143 : memref<80x8xf32, #tpu.memory_space<vmem>>)
      %dma_wait3A_150 = arith.constant 320 : i32
      %dma_wait3A_151 = arith.constant 0 : i32
      %dma_wait3A_152 = tpu.memref_slice %arg11[%dma_wait3A_150, %dma_wait3A_151] : memref<400x8xf32, #tpu.memory_space<vmem>> -> memref<80x8xf32, #tpu.memory_space<vmem>>
      %dma_wait3A_153 = arith.constant 0 : i32
      %dma_wait3A_154 = tpu.memref_slice %arg9[%add3A_104, %dma_wait3A_153] : memref<125x80xi32, #tpu.memory_space<vmem>> -> memref<1x80xi32, #tpu.memory_space<vmem>>
      %dma_wait3A_155 = tpu.memref_squeeze %dma_wait3A_154 : memref<1x80xi32, #tpu.memory_space<vmem>> -> memref<80xi32, #tpu.memory_space<vmem>>
      %dma_wait3A_156 = arith.constant 0 : i32
      %dma_wait3A_157 = arith.constant 0 : i32
      %dma_wait3A_158 = tpu.memref_slice %arg7[%dma_wait3A_156, %dma_wait3A_157] : memref<10000x8xf32, #tpu.memory_space<vmem_shared>> -> memref<10000x8xf32, #tpu.memory_space<vmem_shared>>
      tpu.wait_indirect_dma semaphore(%arg13 : memref<!tpu.dma_semaphore, #tpu.memory_space<semaphore_mem>>) src(%dma_wait3A_158 : memref<10000x8xf32, #tpu.memory_space<vmem_shared>>) dst(%dma_wait3A_152 : memref<80x8xf32, #tpu.memory_space<vmem>>)
      %add3A_159 = arith.constant 0 : i32
      %add3A_160 = arith.addi %mul3A_58, %add3A_159 : i32
      %dma_start3A_161 = arith.constant 0 : i32
      %dma_start3A_162 = arith.constant 0 : i32
      %dma_start3A_163 = tpu.memref_slice %arg11[%dma_start3A_161, %dma_start3A_162] : memref<400x8xf32, #tpu.memory_space<vmem>> -> memref<80x8xf32, #tpu.memory_space<vmem>>
      %dma_start3A_164 = arith.constant 0 : i32
      %dma_start3A_165 = tpu.memref_slice %arg10[%add3A_160, %dma_start3A_164] : memref<125x80xi32, #tpu.memory_space<vmem>> -> memref<1x80xi32, #tpu.memory_space<vmem>>
      %dma_start3A_166 = tpu.memref_squeeze %dma_start3A_165 : memref<1x80xi32, #tpu.memory_space<vmem>> -> memref<80xi32, #tpu.memory_space<vmem>>
      %dma_start3A_167 = arith.constant 0 : i32
      %dma_start3A_168 = arith.constant 0 : i32
      %dma_start3A_169 = tpu.memref_slice %arg8[%dma_start3A_167, %dma_start3A_168] : memref<10000x8xf32, #tpu.memory_space<vmem_shared>> -> memref<10000x8xf32, #tpu.memory_space<vmem_shared>>
      tpu.enqueue_indirect_dma source(%dma_start3A_163 : memref<80x8xf32, #tpu.memory_space<vmem>>) target(%dma_start3A_169 : memref<10000x8xf32, #tpu.memory_space<vmem_shared>>) offsets(%dma_start3A_166 : memref<80xi32, #tpu.memory_space<vmem>>) semaphore(%arg14 : memref<!tpu.dma_semaphore, #tpu.memory_space<semaphore_mem>>) {add = true}
      %add3A_170 = arith.constant 1 : i32
      %add3A_171 = arith.addi %mul3A_58, %add3A_170 : i32
      %dma_start3A_172 = arith.constant 80 : i32
      %dma_start3A_173 = arith.constant 0 : i32
      %dma_start3A_174 = tpu.memref_slice %arg11[%dma_start3A_172, %dma_start3A_173] : memref<400x8xf32, #tpu.memory_space<vmem>> -> memref<80x8xf32, #tpu.memory_space<vmem>>
      %dma_start3A_175 = arith.constant 0 : i32
      %dma_start3A_176 = tpu.memref_slice %arg10[%add3A_171, %dma_start3A_175] : memref<125x80xi32, #tpu.memory_space<vmem>> -> memref<1x80xi32, #tpu.memory_space<vmem>>
      %dma_start3A_177 = tpu.memref_squeeze %dma_start3A_176 : memref<1x80xi32, #tpu.memory_space<vmem>> -> memref<80xi32, #tpu.memory_space<vmem>>
      %dma_start3A_178 = arith.constant 0 : i32
      %dma_start3A_179 = arith.constant 0 : i32
      %dma_start3A_180 = tpu.memref_slice %arg8[%dma_start3A_178, %dma_start3A_179] : memref<10000x8xf32, #tpu.memory_space<vmem_shared>> -> memref<10000x8xf32, #tpu.memory_space<vmem_shared>>
      tpu.enqueue_indirect_dma source(%dma_start3A_174 : memref<80x8xf32, #tpu.memory_space<vmem>>) target(%dma_start3A_180 : memref<10000x8xf32, #tpu.memory_space<vmem_shared>>) offsets(%dma_start3A_177 : memref<80xi32, #tpu.memory_space<vmem>>) semaphore(%arg14 : memref<!tpu.dma_semaphore, #tpu.memory_space<semaphore_mem>>) {add = true}
      %add3A_181 = arith.constant 2 : i32
      %add3A_182 = arith.addi %mul3A_58, %add3A_181 : i32
      %dma_start3A_183 = arith.constant 160 : i32
      %dma_start3A_184 = arith.constant 0 : i32
      %dma_start3A_185 = tpu.memref_slice %arg11[%dma_start3A_183, %dma_start3A_184] : memref<400x8xf32, #tpu.memory_space<vmem>> -> memref<80x8xf32, #tpu.memory_space<vmem>>
      %dma_start3A_186 = arith.constant 0 : i32
      %dma_start3A_187 = tpu.memref_slice %arg10[%add3A_182, %dma_start3A_186] : memref<125x80xi32, #tpu.memory_space<vmem>> -> memref<1x80xi32, #tpu.memory_space<vmem>>
      %dma_start3A_188 = tpu.memref_squeeze %dma_start3A_187 : memref<1x80xi32, #tpu.memory_space<vmem>> -> memref<80xi32, #tpu.memory_space<vmem>>
      %dma_start3A_189 = arith.constant 0 : i32
      %dma_start3A_190 = arith.constant 0 : i32
      %dma_start3A_191 = tpu.memref_slice %arg8[%dma_start3A_189, %dma_start3A_190] : memref<10000x8xf32, #tpu.memory_space<vmem_shared>> -> memref<10000x8xf32, #tpu.memory_space<vmem_shared>>
      tpu.enqueue_indirect_dma source(%dma_start3A_185 : memref<80x8xf32, #tpu.memory_space<vmem>>) target(%dma_start3A_191 : memref<10000x8xf32, #tpu.memory_space<vmem_shared>>) offsets(%dma_start3A_188 : memref<80xi32, #tpu.memory_space<vmem>>) semaphore(%arg14 : memref<!tpu.dma_semaphore, #tpu.memory_space<semaphore_mem>>) {add = true}
      %add3A_192 = arith.constant 3 : i32
      %add3A_193 = arith.addi %mul3A_58, %add3A_192 : i32
      %dma_start3A_194 = arith.constant 240 : i32
      %dma_start3A_195 = arith.constant 0 : i32
      %dma_start3A_196 = tpu.memref_slice %arg11[%dma_start3A_194, %dma_start3A_195] : memref<400x8xf32, #tpu.memory_space<vmem>> -> memref<80x8xf32, #tpu.memory_space<vmem>>
      %dma_start3A_197 = arith.constant 0 : i32
      %dma_start3A_198 = tpu.memref_slice %arg10[%add3A_193, %dma_start3A_197] : memref<125x80xi32, #tpu.memory_space<vmem>> -> memref<1x80xi32, #tpu.memory_space<vmem>>
      %dma_start3A_199 = tpu.memref_squeeze %dma_start3A_198 : memref<1x80xi32, #tpu.memory_space<vmem>> -> memref<80xi32, #tpu.memory_space<vmem>>
      %dma_start3A_200 = arith.constant 0 : i32
      %dma_start3A_201 = arith.constant 0 : i32
      %dma_start3A_202 = tpu.memref_slice %arg8[%dma_start3A_200, %dma_start3A_201] : memref<10000x8xf32, #tpu.memory_space<vmem_shared>> -> memref<10000x8xf32, #tpu.memory_space<vmem_shared>>
      tpu.enqueue_indirect_dma source(%dma_start3A_196 : memref<80x8xf32, #tpu.memory_space<vmem>>) target(%dma_start3A_202 : memref<10000x8xf32, #tpu.memory_space<vmem_shared>>) offsets(%dma_start3A_199 : memref<80xi32, #tpu.memory_space<vmem>>) semaphore(%arg14 : memref<!tpu.dma_semaphore, #tpu.memory_space<semaphore_mem>>) {add = true}
      %add3A_203 = arith.constant 4 : i32
      %add3A_204 = arith.addi %mul3A_58, %add3A_203 : i32
      %dma_start3A_205 = arith.constant 320 : i32
      %dma_start3A_206 = arith.constant 0 : i32
      %dma_start3A_207 = tpu.memref_slice %arg11[%dma_start3A_205, %dma_start3A_206] : memref<400x8xf32, #tpu.memory_space<vmem>> -> memref<80x8xf32, #tpu.memory_space<vmem>>
      %dma_start3A_208 = arith.constant 0 : i32
      %dma_start3A_209 = tpu.memref_slice %arg10[%add3A_204, %dma_start3A_208] : memref<125x80xi32, #tpu.memory_space<vmem>> -> memref<1x80xi32, #tpu.memory_space<vmem>>
      %dma_start3A_210 = tpu.memref_squeeze %dma_start3A_209 : memref<1x80xi32, #tpu.memory_space<vmem>> -> memref<80xi32, #tpu.memory_space<vmem>>
      %dma_start3A_211 = arith.constant 0 : i32
      %dma_start3A_212 = arith.constant 0 : i32
      %dma_start3A_213 = tpu.memref_slice %arg8[%dma_start3A_211, %dma_start3A_212] : memref<10000x8xf32, #tpu.memory_space<vmem_shared>> -> memref<10000x8xf32, #tpu.memory_space<vmem_shared>>
      tpu.enqueue_indirect_dma source(%dma_start3A_207 : memref<80x8xf32, #tpu.memory_space<vmem>>) target(%dma_start3A_213 : memref<10000x8xf32, #tpu.memory_space<vmem_shared>>) offsets(%dma_start3A_210 : memref<80xi32, #tpu.memory_space<vmem>>) semaphore(%arg14 : memref<!tpu.dma_semaphore, #tpu.memory_space<semaphore_mem>>) {add = true}
      %dma_wait3A_214 = arith.constant 0 : i32
      %dma_wait3A_215 = arith.constant 0 : i32
      %dma_wait3A_216 = tpu.memref_slice %arg11[%dma_wait3A_214, %dma_wait3A_215] : memref<400x8xf32, #tpu.memory_space<vmem>> -> memref<80x8xf32, #tpu.memory_space<vmem>>
      %dma_wait3A_217 = arith.constant 0 : i32
      %dma_wait3A_218 = tpu.memref_slice %arg10[%add3A_160, %dma_wait3A_217] : memref<125x80xi32, #tpu.memory_space<vmem>> -> memref<1x80xi32, #tpu.memory_space<vmem>>
      %dma_wait3A_219 = tpu.memref_squeeze %dma_wait3A_218 : memref<1x80xi32, #tpu.memory_space<vmem>> -> memref<80xi32, #tpu.memory_space<vmem>>
      %dma_wait3A_220 = arith.constant 0 : i32
      %dma_wait3A_221 = arith.constant 0 : i32
      %dma_wait3A_222 = tpu.memref_slice %arg8[%dma_wait3A_220, %dma_wait3A_221] : memref<10000x8xf32, #tpu.memory_space<vmem_shared>> -> memref<10000x8xf32, #tpu.memory_space<vmem_shared>>
      tpu.wait_indirect_dma semaphore(%arg14 : memref<!tpu.dma_semaphore, #tpu.memory_space<semaphore_mem>>) src(%dma_wait3A_216 : memref<80x8xf32, #tpu.memory_space<vmem>>) dst(%dma_wait3A_222 : memref<10000x8xf32, #tpu.memory_space<vmem_shared>>)
      %dma_wait3A_223 = arith.constant 80 : i32
      %dma_wait3A_224 = arith.constant 0 : i32
      %dma_wait3A_225 = tpu.memref_slice %arg11[%dma_wait3A_223, %dma_wait3A_224] : memref<400x8xf32, #tpu.memory_space<vmem>> -> memref<80x8xf32, #tpu.memory_space<vmem>>
      %dma_wait3A_226 = arith.constant 0 : i32
      %dma_wait3A_227 = tpu.memref_slice %arg10[%add3A_171, %dma_wait3A_226] : memref<125x80xi32, #tpu.memory_space<vmem>> -> memref<1x80xi32, #tpu.memory_space<vmem>>
      %dma_wait3A_228 = tpu.memref_squeeze %dma_wait3A_227 : memref<1x80xi32, #tpu.memory_space<vmem>> -> memref<80xi32, #tpu.memory_space<vmem>>
      %dma_wait3A_229 = arith.constant 0 : i32
      %dma_wait3A_230 = arith.constant 0 : i32
      %dma_wait3A_231 = tpu.memref_slice %arg8[%dma_wait3A_229, %dma_wait3A_230] : memref<10000x8xf32, #tpu.memory_space<vmem_shared>> -> memref<10000x8xf32, #tpu.memory_space<vmem_shared>>
      tpu.wait_indirect_dma semaphore(%arg14 : memref<!tpu.dma_semaphore, #tpu.memory_space<semaphore_mem>>) src(%dma_wait3A_225 : memref<80x8xf32, #tpu.memory_space<vmem>>) dst(%dma_wait3A_231 : memref<10000x8xf32, #tpu.memory_space<vmem_shared>>)
      %dma_wait3A_232 = arith.constant 160 : i32
      %dma_wait3A_233 = arith.constant 0 : i32
      %dma_wait3A_234 = tpu.memref_slice %arg11[%dma_wait3A_232, %dma_wait3A_233] : memref<400x8xf32, #tpu.memory_space<vmem>> -> memref<80x8xf32, #tpu.memory_space<vmem>>
      %dma_wait3A_235 = arith.constant 0 : i32
      %dma_wait3A_236 = tpu.memref_slice %arg10[%add3A_182, %dma_wait3A_235] : memref<125x80xi32, #tpu.memory_space<vmem>> -> memref<1x80xi32, #tpu.memory_space<vmem>>
      %dma_wait3A_237 = tpu.memref_squeeze %dma_wait3A_236 : memref<1x80xi32, #tpu.memory_space<vmem>> -> memref<80xi32, #tpu.memory_space<vmem>>
      %dma_wait3A_238 = arith.constant 0 : i32
      %dma_wait3A_239 = arith.constant 0 : i32
      %dma_wait3A_240 = tpu.memref_slice %arg8[%dma_wait3A_238, %dma_wait3A_239] : memref<10000x8xf32, #tpu.memory_space<vmem_shared>> -> memref<10000x8xf32, #tpu.memory_space<vmem_shared>>
      tpu.wait_indirect_dma semaphore(%arg14 : memref<!tpu.dma_semaphore, #tpu.memory_space<semaphore_mem>>) src(%dma_wait3A_234 : memref<80x8xf32, #tpu.memory_space<vmem>>) dst(%dma_wait3A_240 : memref<10000x8xf32, #tpu.memory_space<vmem_shared>>)
      %dma_wait3A_241 = arith.constant 240 : i32
      %dma_wait3A_242 = arith.constant 0 : i32
      %dma_wait3A_243 = tpu.memref_slice %arg11[%dma_wait3A_241, %dma_wait3A_242] : memref<400x8xf32, #tpu.memory_space<vmem>> -> memref<80x8xf32, #tpu.memory_space<vmem>>
      %dma_wait3A_244 = arith.constant 0 : i32
      %dma_wait3A_245 = tpu.memref_slice %arg10[%add3A_193, %dma_wait3A_244] : memref<125x80xi32, #tpu.memory_space<vmem>> -> memref<1x80xi32, #tpu.memory_space<vmem>>
      %dma_wait3A_246 = tpu.memref_squeeze %dma_wait3A_245 : memref<1x80xi32, #tpu.memory_space<vmem>> -> memref<80xi32, #tpu.memory_space<vmem>>
      %dma_wait3A_247 = arith.constant 0 : i32
      %dma_wait3A_248 = arith.constant 0 : i32
      %dma_wait3A_249 = tpu.memref_slice %arg8[%dma_wait3A_247, %dma_wait3A_248] : memref<10000x8xf32, #tpu.memory_space<vmem_shared>> -> memref<10000x8xf32, #tpu.memory_space<vmem_shared>>
      tpu.wait_indirect_dma semaphore(%arg14 : memref<!tpu.dma_semaphore, #tpu.memory_space<semaphore_mem>>) src(%dma_wait3A_243 : memref<80x8xf32, #tpu.memory_space<vmem>>) dst(%dma_wait3A_249 : memref<10000x8xf32, #tpu.memory_space<vmem_shared>>)
      %dma_wait3A_250 = arith.constant 320 : i32
      %dma_wait3A_251 = arith.constant 0 : i32
      %dma_wait3A_252 = tpu.memref_slice %arg11[%dma_wait3A_250, %dma_wait3A_251] : memref<400x8xf32, #tpu.memory_space<vmem>> -> memref<80x8xf32, #tpu.memory_space<vmem>>
      %dma_wait3A_253 = arith.constant 0 : i32
      %dma_wait3A_254 = tpu.memref_slice %arg10[%add3A_204, %dma_wait3A_253] : memref<125x80xi32, #tpu.memory_space<vmem>> -> memref<1x80xi32, #tpu.memory_space<vmem>>
      %dma_wait3A_255 = tpu.memref_squeeze %dma_wait3A_254 : memref<1x80xi32, #tpu.memory_space<vmem>> -> memref<80xi32, #tpu.memory_space<vmem>>
      %dma_wait3A_256 = arith.constant 0 : i32
      %dma_wait3A_257 = arith.constant 0 : i32
      %dma_wait3A_258 = tpu.memref_slice %arg8[%dma_wait3A_256, %dma_wait3A_257] : memref<10000x8xf32, #tpu.memory_space<vmem_shared>> -> memref<10000x8xf32, #tpu.memory_space<vmem_shared>>
      tpu.wait_indirect_dma semaphore(%arg14 : memref<!tpu.dma_semaphore, #tpu.memory_space<semaphore_mem>>) src(%dma_wait3A_252 : memref<80x8xf32, #tpu.memory_space<vmem>>) dst(%dma_wait3A_258 : memref<10000x8xf32, #tpu.memory_space<vmem_shared>>)
    }
    %scan3A_54 = arith.constant 25 : i32
    %barrier3A_55 = arith.constant 0 : index
    tpu.barrier barrier_id(%barrier3A_55)
    "tpu.region"() ({
      %run_scoped3A = tpu.sem_alloc : memref<!tpu.dma_semaphore, #tpu.memory_space<semaphore_mem>>
      %dma_start3A_56 = arith.constant 0 : i32
      %dma_start3A_57 = tpu.memref_slice %arg6[%arg0, %mul3A_0, %dma_start3A_56] : memref<2x10000x8xf32, #tpu.memory_space<hbm>> -> memref<1x625x8xf32, #tpu.memory_space<hbm>>
      %dma_start3A_58 = tpu.memref_squeeze %dma_start3A_57 : memref<1x625x8xf32, #tpu.memory_space<hbm>> -> memref<625x8xf32, #tpu.memory_space<hbm>>
      %dma_start3A_59 = arith.constant 0 : i32
      %dma_start3A_60 = tpu.memref_slice %arg8[%mul3A_0, %dma_start3A_59] : memref<10000x8xf32, #tpu.memory_space<vmem_shared>> -> memref<625x8xf32, #tpu.memory_space<vmem_shared>>
      tpu.enqueue_dma source(%dma_start3A_60 : memref<625x8xf32, #tpu.memory_space<vmem_shared>>) target(%dma_start3A_58 : memref<625x8xf32, #tpu.memory_space<hbm>>) target_semaphore(%run_scoped3A : memref<!tpu.dma_semaphore, #tpu.memory_space<semaphore_mem>>)
      %dma_wait3A_61 = arith.constant 0 : i32
      %dma_wait3A_62 = tpu.memref_slice %arg6[%arg0, %mul3A_0, %dma_wait3A_61] : memref<2x10000x8xf32, #tpu.memory_space<hbm>> -> memref<1x625x8xf32, #tpu.memory_space<hbm>>
      %dma_wait3A_63 = tpu.memref_squeeze %dma_wait3A_62 : memref<1x625x8xf32, #tpu.memory_space<hbm>> -> memref<625x8xf32, #tpu.memory_space<hbm>>
      %dma_wait3A_64 = arith.constant 0 : i32
      %dma_wait3A_65 = tpu.memref_slice %arg8[%mul3A_0, %dma_wait3A_64] : memref<10000x8xf32, #tpu.memory_space<vmem_shared>> -> memref<625x8xf32, #tpu.memory_space<vmem_shared>>
      tpu.wait_dma2 semaphore(%run_scoped3A : memref<!tpu.dma_semaphore, #tpu.memory_space<semaphore_mem>>) src(%dma_wait3A_65 : memref<625x8xf32, #tpu.memory_space<vmem_shared>>) dst(%dma_wait3A_63 : memref<625x8xf32, #tpu.memory_space<hbm>>)
      tpu.yield
    }) : () -> ()
    return
  }
}

module attributes {stable_mosaic.version = 14 : i64} {
  func.func @_head_body(%arg0: memref<10000x128xf32, #tpu.memory_space<vmem>>, %arg1: memref<128x6xf32, #tpu.memory_space<vmem>>, %arg2: memref<1x6xf32, #tpu.memory_space<vmem>>, %arg3: memref<1x6xf32, #tpu.memory_space<vmem>>, %arg4: memref<1x6xf32, #tpu.memory_space<vmem>>, %arg5: memref<10000x8xf32, #tpu.memory_space<vmem>>) attributes {dimension_semantics = [], scalar_prefetch = 0 : i64, scratch_operands = 0 : i64, tpu.core_type = #tpu.core_type<tc>} {
    %get3A = arith.constant 0 : index
    %get3A_0 = arith.constant 0 : index
    %get3A_1 = vector.load %arg1[%get3A, %get3A_0] : memref<128x6xf32, #tpu.memory_space<vmem>>, vector<128x6xf32>
    %jit3A = arith.constant 0 : i32
    %convert_element_type3A = arith.sitofp %jit3A : i32 to f32
    %pad3A = vector.broadcast %convert_element_type3A : f32 to vector<128x2xf32>
    %pad3A_2 = tpu.concatenate %get3A_1, %pad3A in 1 : vector<128x6xf32>, vector<128x2xf32> -> vector<128x8xf32>
    %get3A_3 = arith.constant 0 : index
    %get3A_4 = arith.constant 0 : index
    %get3A_5 = vector.load %arg2[%get3A_3, %get3A_4] : memref<1x6xf32, #tpu.memory_space<vmem>>, vector<1x6xf32>
    %jit3A_6 = arith.constant 0 : i32
    %convert_element_type3A_7 = arith.sitofp %jit3A_6 : i32 to f32
    %pad3A_8 = vector.broadcast %convert_element_type3A_7 : f32 to vector<1x2xf32>
    %pad3A_9 = tpu.concatenate %get3A_5, %pad3A_8 in 1 : vector<1x6xf32>, vector<1x2xf32> -> vector<1x8xf32>
    %get3A_10 = arith.constant 0 : index
    %get3A_11 = arith.constant 0 : index
    %get3A_12 = vector.load %arg3[%get3A_10, %get3A_11] : memref<1x6xf32, #tpu.memory_space<vmem>>, vector<1x6xf32>
    %jit3A_13 = arith.constant 0 : i32
    %convert_element_type3A_14 = arith.sitofp %jit3A_13 : i32 to f32
    %pad3A_15 = vector.broadcast %convert_element_type3A_14 : f32 to vector<1x2xf32>
    %pad3A_16 = tpu.concatenate %get3A_12, %pad3A_15 in 1 : vector<1x6xf32>, vector<1x2xf32> -> vector<1x8xf32>
    %get3A_17 = arith.constant 0 : index
    %get3A_18 = arith.constant 0 : index
    %get3A_19 = vector.load %arg4[%get3A_17, %get3A_18] : memref<1x6xf32, #tpu.memory_space<vmem>>, vector<1x6xf32>
    %jit3A_20 = arith.constant 0 : i32
    %convert_element_type3A_21 = arith.sitofp %jit3A_20 : i32 to f32
    %pad3A_22 = vector.broadcast %convert_element_type3A_21 : f32 to vector<1x2xf32>
    %pad3A_23 = tpu.concatenate %get3A_19, %pad3A_22 in 1 : vector<1x6xf32>, vector<1x2xf32> -> vector<1x8xf32>
    %get3A_24 = arith.constant 0 : index
    %get3A_25 = arith.constant 0 : index
    %get3A_26 = vector.load %arg0[%get3A_24, %get3A_25] : memref<10000x128xf32, #tpu.memory_space<vmem>>, vector<10000x128xf32>
    %dot_general3A = arith.constant dense<0.000000e+00> : vector<10000x8xf32>
    %dot_general3A_27 = tpu.matmul %get3A_26, %pad3A_2, %dot_general3A {dimension_numbers = #tpu.dot_dimension_numbers<[1], [0], [0], [1], [0, 0, 1, 1], [], []>, transpose_lhs_hint = false} : vector<10000x128xf32>, vector<128x8xf32>, vector<10000x8xf32> -> vector<10000x8xf32>
    %add3A = vector.broadcast %pad3A_9 : vector<1x8xf32> to vector<10000x8xf32>
    %add3A_28 = arith.addf %dot_general3A_27, %add3A : vector<10000x8xf32>
    %reduce_sum3A = arith.constant dense<0.000000e+00> : vector<8xf32>
    %reduce_sum3A_29 = vector.multi_reduction <add>, %add3A_28, %reduce_sum3A [0] : vector<10000x8xf32> to vector<8xf32>
    %broadcast_in_dim3A = vector.shape_cast %reduce_sum3A_29 : vector<8xf32> to vector<1x8xf32>
    %div3A = arith.constant 1.000000e+04 : f32
    %div3A_30 = vector.broadcast %div3A : f32 to vector<1x8xf32>
    %div3A_31 = arith.divf %broadcast_in_dim3A, %div3A_30 : vector<1x8xf32>
    %mul3A = arith.mulf %add3A_28, %add3A_28 : vector<10000x8xf32>
    %reduce_sum3A_32 = arith.constant dense<0.000000e+00> : vector<8xf32>
    %reduce_sum3A_33 = vector.multi_reduction <add>, %mul3A, %reduce_sum3A_32 [0] : vector<10000x8xf32> to vector<8xf32>
    %broadcast_in_dim3A_34 = vector.shape_cast %reduce_sum3A_33 : vector<8xf32> to vector<1x8xf32>
    %div3A_35 = arith.constant 1.000000e+04 : f32
    %div3A_36 = vector.broadcast %div3A_35 : f32 to vector<1x8xf32>
    %div3A_37 = arith.divf %broadcast_in_dim3A_34, %div3A_36 : vector<1x8xf32>
    %mul3A_38 = arith.mulf %div3A_31, %div3A_31 : vector<1x8xf32>
    %sub3A = arith.subf %div3A_37, %mul3A_38 : vector<1x8xf32>
    %add3A_39 = arith.constant 9.99999974E-6 : f32
    %add3A_40 = vector.broadcast %add3A_39 : f32 to vector<1x8xf32>
    %add3A_41 = arith.addf %sub3A, %add3A_40 : vector<1x8xf32>
    %rsqrt3A = math.rsqrt %add3A_41 : vector<1x8xf32>
    %mul3A_42 = arith.mulf %pad3A_16, %rsqrt3A : vector<1x8xf32>
    %mul3A_43 = arith.mulf %div3A_31, %mul3A_42 : vector<1x8xf32>
    %sub3A_44 = arith.subf %pad3A_23, %mul3A_43 : vector<1x8xf32>
    %mul3A_45 = vector.broadcast %mul3A_42 : vector<1x8xf32> to vector<10000x8xf32>
    %mul3A_46 = arith.mulf %add3A_28, %mul3A_45 : vector<10000x8xf32>
    %add3A_47 = vector.broadcast %sub3A_44 : vector<1x8xf32> to vector<10000x8xf32>
    %add3A_48 = arith.addf %mul3A_46, %add3A_47 : vector<10000x8xf32>
    %max3A = arith.constant 0.000000e+00 : f32
    %max3A_49 = vector.broadcast %max3A : f32 to vector<10000x8xf32>
    %max3A_50 = arith.maximumf %add3A_48, %max3A_49 : vector<10000x8xf32>
    %swap3A = arith.constant 0 : index
    %swap3A_51 = arith.constant 0 : index
    %swap3A_52 = vector.load %arg5[%swap3A, %swap3A_51] : memref<10000x8xf32, #tpu.memory_space<vmem>>, vector<10000x8xf32>
    tpu.vector_store %arg5[%swap3A, %swap3A_51], %max3A_50 {strides = array<i32>} : memref<10000x8xf32, #tpu.memory_space<vmem>>, vector<10000x8xf32>,
    return
  }
}

module attributes {stable_mosaic.version = 14 : i64} {
  func.func @_tail_body(%arg0: memref<10000x8xf32, #tpu.memory_space<vmem>>, %arg1: memref<2x10000x8xf32, #tpu.memory_space<vmem>>, %arg2: memref<6x6xf32, #tpu.memory_space<vmem>>, %arg3: memref<1x6xf32, #tpu.memory_space<vmem>>, %arg4: memref<1x6xf32, #tpu.memory_space<vmem>>, %arg5: memref<1x6xf32, #tpu.memory_space<vmem>>, %arg6: memref<6x6xf32, #tpu.memory_space<vmem>>, %arg7: memref<1x6xf32, #tpu.memory_space<vmem>>, %arg8: memref<6x1xf32, #tpu.memory_space<vmem>>, %arg9: memref<1x1xf32, #tpu.memory_space<vmem>>, %arg10: memref<10000x1xf32, #tpu.memory_space<vmem>>, %arg11: memref<10000x6xf32, #tpu.memory_space<vmem>>) attributes {dimension_semantics = [], scalar_prefetch = 0 : i64, scratch_operands = 0 : i64, tpu.core_type = #tpu.core_type<tc>} {
    %get3A = arith.constant 0 : index
    %get3A_0 = arith.constant 0 : index
    %get3A_1 = vector.load %arg2[%get3A, %get3A_0] : memref<6x6xf32, #tpu.memory_space<vmem>>, vector<6x6xf32>
    %jit3A = arith.constant 0 : i32
    %convert_element_type3A = arith.sitofp %jit3A : i32 to f32
    %pad3A = vector.broadcast %convert_element_type3A : f32 to vector<2x6xf32>
    %pad3A_2 = tpu.concatenate %get3A_1, %pad3A in 0 : vector<6x6xf32>, vector<2x6xf32> -> vector<8x6xf32>
    %pad3A_3 = vector.broadcast %convert_element_type3A : f32 to vector<8x2xf32>
    %pad3A_4 = tpu.concatenate %pad3A_2, %pad3A_3 in 1 : vector<8x6xf32>, vector<8x2xf32> -> vector<8x8xf32>
    %get3A_5 = arith.constant 0 : index
    %get3A_6 = arith.constant 0 : index
    %get3A_7 = vector.load %arg3[%get3A_5, %get3A_6] : memref<1x6xf32, #tpu.memory_space<vmem>>, vector<1x6xf32>
    %jit3A_8 = arith.constant 0 : i32
    %convert_element_type3A_9 = arith.sitofp %jit3A_8 : i32 to f32
    %pad3A_10 = vector.broadcast %convert_element_type3A_9 : f32 to vector<1x2xf32>
    %pad3A_11 = tpu.concatenate %get3A_7, %pad3A_10 in 1 : vector<1x6xf32>, vector<1x2xf32> -> vector<1x8xf32>
    %get3A_12 = arith.constant 0 : index
    %get3A_13 = arith.constant 0 : index
    %get3A_14 = vector.load %arg4[%get3A_12, %get3A_13] : memref<1x6xf32, #tpu.memory_space<vmem>>, vector<1x6xf32>
    %jit3A_15 = arith.constant 0 : i32
    %convert_element_type3A_16 = arith.sitofp %jit3A_15 : i32 to f32
    %pad3A_17 = vector.broadcast %convert_element_type3A_16 : f32 to vector<1x2xf32>
    %pad3A_18 = tpu.concatenate %get3A_14, %pad3A_17 in 1 : vector<1x6xf32>, vector<1x2xf32> -> vector<1x8xf32>
    %get3A_19 = arith.constant 0 : index
    %get3A_20 = arith.constant 0 : index
    %get3A_21 = vector.load %arg5[%get3A_19, %get3A_20] : memref<1x6xf32, #tpu.memory_space<vmem>>, vector<1x6xf32>
    %jit3A_22 = arith.constant 0 : i32
    %convert_element_type3A_23 = arith.sitofp %jit3A_22 : i32 to f32
    %pad3A_24 = vector.broadcast %convert_element_type3A_23 : f32 to vector<1x2xf32>
    %pad3A_25 = tpu.concatenate %get3A_21, %pad3A_24 in 1 : vector<1x6xf32>, vector<1x2xf32> -> vector<1x8xf32>
    %get3A_26 = arith.constant 0 : index
    %get3A_27 = arith.constant 0 : index
    %get3A_28 = vector.load %arg6[%get3A_26, %get3A_27] : memref<6x6xf32, #tpu.memory_space<vmem>>, vector<6x6xf32>
    %jit3A_29 = arith.constant 0 : i32
    %convert_element_type3A_30 = arith.sitofp %jit3A_29 : i32 to f32
    %pad3A_31 = vector.broadcast %convert_element_type3A_30 : f32 to vector<2x6xf32>
    %pad3A_32 = tpu.concatenate %get3A_28, %pad3A_31 in 0 : vector<6x6xf32>, vector<2x6xf32> -> vector<8x6xf32>
    %pad3A_33 = vector.broadcast %convert_element_type3A_30 : f32 to vector<8x2xf32>
    %pad3A_34 = tpu.concatenate %pad3A_32, %pad3A_33 in 1 : vector<8x6xf32>, vector<8x2xf32> -> vector<8x8xf32>
    %get3A_35 = arith.constant 0 : index
    %get3A_36 = arith.constant 0 : index
    %get3A_37 = vector.load %arg7[%get3A_35, %get3A_36] : memref<1x6xf32, #tpu.memory_space<vmem>>, vector<1x6xf32>
    %jit3A_38 = arith.constant 0 : i32
    %convert_element_type3A_39 = arith.sitofp %jit3A_38 : i32 to f32
    %pad3A_40 = vector.broadcast %convert_element_type3A_39 : f32 to vector<1x2xf32>
    %pad3A_41 = tpu.concatenate %get3A_37, %pad3A_40 in 1 : vector<1x6xf32>, vector<1x2xf32> -> vector<1x8xf32>
    %get3A_42 = arith.constant 0 : index
    %get3A_43 = arith.constant 0 : index
    %get3A_44 = vector.load %arg8[%get3A_42, %get3A_43] : memref<6x1xf32, #tpu.memory_space<vmem>>, vector<6x1xf32>
    %jit3A_45 = arith.constant 0 : i32
    %convert_element_type3A_46 = arith.sitofp %jit3A_45 : i32 to f32
    %pad3A_47 = vector.broadcast %convert_element_type3A_46 : f32 to vector<2x1xf32>
    %pad3A_48 = tpu.concatenate %get3A_44, %pad3A_47 in 0 : vector<6x1xf32>, vector<2x1xf32> -> vector<8x1xf32>
    %get3A_49 = arith.constant 0 : index
    %get3A_50 = arith.constant 0 : index
    %get3A_51 = arith.constant 0 : index
    %get3A_52 = vector.load %arg1[%get3A_49, %get3A_50, %get3A_51] : memref<2x10000x8xf32, #tpu.memory_space<vmem>>, vector<1x10000x8xf32>
    %get3A_53 = vector.shape_cast %get3A_52 : vector<1x10000x8xf32> to vector<10000x8xf32>
    %get3A_54 = arith.constant 1 : index
    %get3A_55 = arith.constant 0 : index
    %get3A_56 = arith.constant 0 : index
    %get3A_57 = vector.load %arg1[%get3A_54, %get3A_55, %get3A_56] : memref<2x10000x8xf32, #tpu.memory_space<vmem>>, vector<1x10000x8xf32>
    %get3A_58 = vector.shape_cast %get3A_57 : vector<1x10000x8xf32> to vector<10000x8xf32>
    %add3A = arith.addf %get3A_53, %get3A_58 : vector<10000x8xf32>
    %dot_general3A = arith.constant dense<0.000000e+00> : vector<10000x8xf32>
    %dot_general3A_59 = tpu.matmul %add3A, %pad3A_4, %dot_general3A {dimension_numbers = #tpu.dot_dimension_numbers<[1], [0], [0], [1], [0, 0, 1, 1], [], []>, transpose_lhs_hint = false} : vector<10000x8xf32>, vector<8x8xf32>, vector<10000x8xf32> -> vector<10000x8xf32>
    %add3A_60 = vector.broadcast %pad3A_11 : vector<1x8xf32> to vector<10000x8xf32>
    %add3A_61 = arith.addf %dot_general3A_59, %add3A_60 : vector<10000x8xf32>
    %reduce_sum3A = arith.constant dense<0.000000e+00> : vector<8xf32>
    %reduce_sum3A_62 = vector.multi_reduction <add>, %add3A_61, %reduce_sum3A [0] : vector<10000x8xf32> to vector<8xf32>
    %broadcast_in_dim3A = vector.shape_cast %reduce_sum3A_62 : vector<8xf32> to vector<1x8xf32>
    %div3A = arith.constant 1.000000e+04 : f32
    %div3A_63 = vector.broadcast %div3A : f32 to vector<1x8xf32>
    %div3A_64 = arith.divf %broadcast_in_dim3A, %div3A_63 : vector<1x8xf32>
    %mul3A = arith.mulf %add3A_61, %add3A_61 : vector<10000x8xf32>
    %reduce_sum3A_65 = arith.constant dense<0.000000e+00> : vector<8xf32>
    %reduce_sum3A_66 = vector.multi_reduction <add>, %mul3A, %reduce_sum3A_65 [0] : vector<10000x8xf32> to vector<8xf32>
    %broadcast_in_dim3A_67 = vector.shape_cast %reduce_sum3A_66 : vector<8xf32> to vector<1x8xf32>
    %div3A_68 = arith.constant 1.000000e+04 : f32
    %div3A_69 = vector.broadcast %div3A_68 : f32 to vector<1x8xf32>
    %div3A_70 = arith.divf %broadcast_in_dim3A_67, %div3A_69 : vector<1x8xf32>
    %mul3A_71 = arith.mulf %div3A_64, %div3A_64 : vector<1x8xf32>
    %sub3A = arith.subf %div3A_70, %mul3A_71 : vector<1x8xf32>
    %add3A_72 = arith.constant 9.99999974E-6 : f32
    %add3A_73 = vector.broadcast %add3A_72 : f32 to vector<1x8xf32>
    %add3A_74 = arith.addf %sub3A, %add3A_73 : vector<1x8xf32>
    %rsqrt3A = math.rsqrt %add3A_74 : vector<1x8xf32>
    %mul3A_75 = arith.mulf %pad3A_18, %rsqrt3A : vector<1x8xf32>
    %mul3A_76 = arith.mulf %div3A_64, %mul3A_75 : vector<1x8xf32>
    %sub3A_77 = arith.subf %pad3A_25, %mul3A_76 : vector<1x8xf32>
    %mul3A_78 = vector.broadcast %mul3A_75 : vector<1x8xf32> to vector<10000x8xf32>
    %mul3A_79 = arith.mulf %add3A_61, %mul3A_78 : vector<10000x8xf32>
    %add3A_80 = vector.broadcast %sub3A_77 : vector<1x8xf32> to vector<10000x8xf32>
    %add3A_81 = arith.addf %mul3A_79, %add3A_80 : vector<10000x8xf32>
    %max3A = arith.constant 0.000000e+00 : f32
    %max3A_82 = vector.broadcast %max3A : f32 to vector<10000x8xf32>
    %max3A_83 = arith.maximumf %add3A_81, %max3A_82 : vector<10000x8xf32>
    %dot_general3A_84 = arith.constant dense<0.000000e+00> : vector<10000x8xf32>
    %dot_general3A_85 = tpu.matmul %max3A_83, %pad3A_34, %dot_general3A_84 {dimension_numbers = #tpu.dot_dimension_numbers<[1], [0], [0], [1], [0, 0, 1, 1], [], []>, transpose_lhs_hint = false} : vector<10000x8xf32>, vector<8x8xf32>, vector<10000x8xf32> -> vector<10000x8xf32>
    %add3A_86 = vector.broadcast %pad3A_41 : vector<1x8xf32> to vector<10000x8xf32>
    %add3A_87 = arith.addf %dot_general3A_85, %add3A_86 : vector<10000x8xf32>
    %slice3A = vector.extract_strided_slice %add3A_87 {offsets = [0, 0], sizes = [10000, 6], strides = [1, 1]} : vector<10000x8xf32> to vector<10000x6xf32>
    %swap3A = arith.constant 0 : index
    %swap3A_88 = arith.constant 0 : index
    %swap3A_89 = vector.load %arg11[%swap3A, %swap3A_88] : memref<10000x6xf32, #tpu.memory_space<vmem>>, vector<10000x6xf32>
    tpu.vector_store %arg11[%swap3A, %swap3A_88], %slice3A {strides = array<i32>} : memref<10000x6xf32, #tpu.memory_space<vmem>>, vector<10000x6xf32>,
    %dot_general3A_90 = arith.constant dense<0.000000e+00> : vector<10000x1xf32>
    %dot_general3A_91 = tpu.matmul %add3A_87, %pad3A_48, %dot_general3A_90 {dimension_numbers = #tpu.dot_dimension_numbers<[1], [0], [0], [1], [0, 0, 1, 1], [], []>, transpose_lhs_hint = false} : vector<10000x8xf32>, vector<8x1xf32>, vector<10000x1xf32> -> vector<10000x1xf32>
    %get3A_92 = arith.constant 0 : index
    %get3A_93 = arith.constant 0 : index
    %get3A_94 = vector.load %arg9[%get3A_92, %get3A_93] : memref<1x1xf32, #tpu.memory_space<vmem>>, vector<1x1xf32>
    %add3A_95 = vector.broadcast %get3A_94 : vector<1x1xf32> to vector<10000x1xf32>
    %add3A_96 = arith.addf %dot_general3A_91, %add3A_95 : vector<10000x1xf32>
    %swap3A_97 = arith.constant 0 : index
    %swap3A_98 = arith.constant 0 : index
    %swap3A_99 = vector.load %arg10[%swap3A_97, %swap3A_98] : memref<10000x1xf32, #tpu.memory_space<vmem>>, vector<10000x1xf32>
    tpu.vector_store %arg10[%swap3A_97, %swap3A_98], %add3A_96 {strides = array<i32>} : memref<10000x1xf32, #tpu.memory_space<vmem>>, vector<10000x1xf32>,
    return
  }
}

</mosaic_0001>

<sc_bundles>
// kernel: kernel.5.cloned.1.call-start
scs
__scs_entry_jumppad:
0x0: {  	(pc) =	sbr.rel $0x88, $3  }
0x1: {  	(tag) =	ssettag $0x0;
	lr =	simm.s32 $0x1  }
0x2: {  	[smem:$0x3F93] =	sst lr;
	_ =	strace $0xD0000000  }
0x3: {  	_ = 	snop  }
0x4: {  	_ = 	snop  }
0x5: {  	_ = 	snop  }
0x6: {  	_ = 	snop  }
0x7: {  	_ = 	snop  }
__scs_overlays_trampoline_lowered:
0x8: {  	[smem:$0x3FA2] =	sst s0  }
0x9: {  	[smem:$0x3FA3] =	sst s1  }
0xa: {  	[smem:$0x3FA4] =	sst s2  }
0xb: {  	[smem:$0x3FA5] =	sst s3  }
0xc: {  	[smem:$0x3FA6] =	sst s4  }
0xd: {  	[smem:$0x3FA7] =	sst s5  }
0xe: {  	[smem:$0x3FA8] =	sst s6  }
0xf: {  	[smem:$0x3FA9] =	sst s7  }
0x10: {  	[smem:$0x3FAA] =	sst s8  }
0x11: {  	[smem:$0x3FAB] =	sst s9;
	s0 =	simm.s32 @!p0 $0x0  }
0x12: {  	s1 =	sld [smem:$0x3F91];
	s0 =	simm.s32 @p0 $0x1  }
0x13: {  	[smem:$0x3FAC] =	sst s0;
	s0 =	simm.s32 @!p1 $0x0  }
0x14: {  	s2 =	sld [smem:$0x3F90];
	s0 =	simm.s32 @p1 $0x1  }
0x15: {  	[smem:$0x3FAD] =	sst s0;
	s0 =	simm.s32 @!p2 $0x0  }
0x16: {  	s3 =	sld [smem:$0x3FDB];
	s0 =	simm.s32 @p2 $0x1  }
0x17: {  	s4 =	simm.s32 $0x1BF5;
	[smem:$0x3FAF] =	sst s0  }
0x18: {  	s0 =	sld [smem:$0x3F92];
	_ =	swait.ge [sflag:s4], $0x0  }
0x19: {  	s7 =	sld [smem:$0x3F93]  }
0x1a: {  	s8 =	sadd.s32 $0xFFFFE003, lr  }
0x1b: {  	s9 =	sadd.s32 $0xFFFFFEF7, lr;
	s5 =	simm.s32 $0xFFFFFFFF;
	p2 =	slt.u32 s8, $0xFFFFF086  }
0x1c: {  	p1 =	slt.u32 s9, $0xF7A;
	s5 =	simm.s32 @!p2 $0x0  }
0x1d: {  	s5 =	simm.s32 @p1 $0x1;
	p0 =	seq.s32 s7, s2  }
0x1e: {  	s7 =	smul.u32 @!p0 $0xF7A, s2;
	p2 =	seq.s32 @!p0 s5, $0x0  }
0x1f: {  	s9 =	smul.u32 $0xF7A, s1;
	s8 =	simm.s32 @!p0 $0x1BF5;
	p2 =	por !p2, p0  }
0x20: {  	[sflag:s8] =	ssyncset.s32 @!p0 $0xFFFFF086;
	s6 =	sadd.s32 @!p0 s3, s7;
	s7 =	simm.s32 @!p0 $0x108  }
0x21: {  	s3 =	sadd.s32 s3, s9;
	s6 =	sadd.s32 @!p0 $0x88, s6;
	s7 =	simm.s32 @p2 $0x1082  }
0x22: {  	[simem:s7], [sflag:s8] =	dma.local @!p0 [hbm:s6], $0xF7A  }
0x23: {  	s9 =	sor.u32 $0xD0000000, s2;
	s6 =	simm.s32 $0x108;
	_ =	swait.ge @!p0 [sflag:s8], $0x0  }
0x24: {  	s3 =	sadd.s32 $0x88, s3;
	s6 =	simm.s32 @!p1 $0x1082;
	[sflag:s4] =	ssyncset.s32 $0xFFFFF086  }
0x25: {  	[simem:s6], [sflag:s4] =	dma.local [hbm:s3], $0xF7A  }
0x26: {  	[smem:$0x3F93] =	sst s1;
	(tag) =	ssettag s2;
	_ =	strace s9  }
0x27: {  	s1 =	sld [smem:$0x3FA3]  }
0x28: {  	s2 =	sld [smem:$0x3FA4]  }
0x29: {  	s4 =	sld [smem:$0x3FA6]  }
0x2a: {  	p0 =	seq.s32 s5, $0x0;
	s5 =	sld [smem:$0x3FA7]  }
0x2b: {  	s6 =	sld [smem:$0x3FA8]  }
0x2c: {  	s7 =	sld [smem:$0x3FA9]  }
0x2d: {  	s3 =	simm.s32 $0x108;
	s8 =	sld [smem:$0x3FAA]  }
0x2e: {  	s3 =	simm.s32 @!p0 $0x1082;
	s9 =	sld [smem:$0x3FAB]  }
0x2f: {  	lr =	sadd.s32 s0, s3;
	s0 =	sld [smem:$0x3FA2]  }
0x30: {  	s3 =	sld [smem:$0x3FA5]  }
0x31: {  	[smem:$0x3FAE] =	sst s10  }
0x32: {  	s10 =	sld [smem:$0x3FAC];
	_ =	sdelay $0x3  }
0x33: {  	p0 =	seq.s32 s10, $0x1;
	s10 =	sld [smem:$0x3FAE];
	_ =	sdelay $0x3  }
0x34: {  	[smem:$0x3FAE] =	sst s10  }
0x35: {  	s10 =	sld [smem:$0x3FAD];
	_ =	sdelay $0x3  }
0x36: {  	p1 =	seq.s32 s10, $0x1;
	s10 =	sld [smem:$0x3FAE];
	_ =	sdelay $0x3  }
0x37: {  	[smem:$0x3FAE] =	sst s10  }
0x38: {  	s10 =	sld [smem:$0x3FAF]  }
0x39: {  	_ = 	snop;
	(pc) =	sbr.ind lr, $3  }
0x3a: {  	_ = 	snop  }
0x3b: {  	_ = 	snop  }
0x3c: {  	p2 =	seq.s32 s10, $0x1;
	s10 =	sld [smem:$0x3FAE]  }
0x3d: {  	_ =	shalt  }
0x3e: {  	_ =	shalt  }
0x3f: {  	_ =	shalt  }
0x40: {  	_ =	shalt  }
0x41: {  	_ =	shalt  }
0x42: {  	_ =	shalt  }
0x43: {  	_ =	shalt  }
0x44: {  	_ =	shalt  }
0x45: {  	_ =	shalt  }
0x46: {  	_ =	shalt  }
0x47: {  	_ =	shalt  }
0x48: {  	_ =	shalt  }
0x49: {  	_ =	shalt  }
0x4a: {  	_ =	shalt  }
0x4b: {  	_ =	shalt  }
0x4c: {  	_ =	shalt  }
0x4d: {  	_ =	shalt  }
0x4e: {  	_ =	shalt  }
0x4f: {  	_ =	shalt  }
0x50: {  	_ =	shalt  }
0x51: {  	_ =	shalt  }
0x52: {  	_ =	shalt  }
0x53: {  	_ =	shalt  }
0x54: {  	_ =	shalt  }
0x55: {  	_ =	shalt  }
0x56: {  	_ =	shalt  }
0x57: {  	_ =	shalt  }
0x58: {  	_ =	shalt  }
0x59: {  	_ =	shalt  }
0x5a: {  	_ =	shalt  }
0x5b: {  	_ =	shalt  }
0x5c: {  	_ =	shalt  }
0x5d: {  	_ =	shalt  }
0x5e: {  	_ =	shalt  }
0x5f: {  	_ =	shalt  }
0x60: {  	_ =	shalt  }
0x61: {  	_ =	shalt  }
0x62: {  	_ =	shalt  }
0x63: {  	_ =	shalt  }
0x64: {  	_ =	shalt  }
0x65: {  	_ =	shalt  }
0x66: {  	_ =	shalt  }
0x67: {  	_ =	shalt  }
0x68: {  	_ =	shalt  }
0x69: {  	_ =	shalt  }
0x6a: {  	_ =	shalt  }
0x6b: {  	_ =	shalt  }
0x6c: {  	_ =	shalt  }
0x6d: {  	_ =	shalt  }
0x6e: {  	_ =	shalt  }
0x6f: {  	_ =	shalt  }
0x70: {  	_ =	shalt  }
0x71: {  	_ =	shalt  }
0x72: {  	_ =	shalt  }
0x73: {  	_ =	shalt  }
0x74: {  	_ =	shalt  }
0x75: {  	_ =	shalt  }
0x76: {  	_ =	shalt  }
0x77: {  	_ =	shalt  }
0x78: {  	_ =	shalt  }
0x79: {  	_ =	shalt  }
0x7a: {  	_ =	shalt  }
0x7b: {  	_ =	shalt  }
0x7c: {  	_ =	shalt  }
0x7d: {  	_ =	shalt  }
0x7e: {  	_ =	shalt  }
0x7f: {  	_ =	shalt  }
0x80: {  	_ =	shalt  }
0x81: {  	_ =	shalt  }
0x82: {  	_ =	shalt  }
0x83: {  	_ =	shalt  }
0x84: {  	_ =	shalt  }
0x85: {  	_ =	shalt  }
0x86: {  	_ =	shalt  }
0x87: {  	_ =	shalt  }
.Lfunc_end0:
.L_simem_size_0:
called_computation_lowered:
.L_overlay_start_0:
0x88: {  	s2 =	sld [smem:$0x3FD9]  }
0x89: {  	s3 =	sld [smem:$0x3FFE];
	_ =	sdelay $0x1  }
0x8a: {  	s1 =	srdreg.scid  }
0x8b: {  	s0 =	sand.u32 $0x1, s1  }
0x8c: {  	s14 =	sshll.u32 s0, $0xA;
	s2 =	sadd.s32 s3, s2  }
0x8d: {  	s2 =	sadd.s32 s2, s14  }
0x8e: {  	[smem:$0x3FBA] =	sst s2  }
0x8f: {  	_ = 	snop  }
0x90: {  	s2 =	sld [smem:$0x3FD0];
	_ =	sdelay $0x2  }
0x91: {  	s15 =	simm.s32 $0xA;
	s4 =	simm.s32 $0x10  }
0x92: {  	[smem:s4], [sflag:s15] =	dma.local [hbm:s2], $0x1  }
0x93: {  	_ =	swait.eq [sflag:s15], $0x1  }
0x94: {  	[sflag:s15] =	ssyncset.done $0x0  }
0x95: {  	s16 =	sld [smem:$0x10];
	[sflag:s15] =	ssyncadd.s32 $0xFFFFFFFF  }
0x96: {  	s17 =	sld [smem:$0x11];
	(tm) =	ssettm $0x1  }
0x97: {  	s18 =	sld [smem:$0x3FFB];
	_ =	sdelay $0x3  }
0x98: {  	_ =	strace s18  }
0x99: {  	s4 =	sld [smem:$0x3FFC];
	_ =	sdelay $0x3  }
0x9a: {  	_ =	strace s4  }
0x9b: {  	s4 =	sld [smem:$0x3FFD];
	_ =	sdelay $0x3  }
0x9c: {  	_ =	strace s4  }
0x9d: {  	_ =	strace $0x8FFFFFFF  }
0x9e: {  	s19 =	sld [smem:$0x3FDB];
	_ =	sdelay $0x1  }
0x9f: {  	s5 =	simm.s32 $_scs_section_size  }
0xa0: {  	s6 =	simm.s32 $_size__tile_overlayer_lowered;
	s7 =	simm.s32 $_tile_overlayer_lowered  }
0xa1: {  	s22 =	simm.s32 $0x1BFF;
	s21 =	sshll.u32 s7, $0x1;
	s4 =	sadd.s32 s5, s19  }
0xa2: {  	s8 =	simm.s32 $0x0;
	s20 =	sshll.u32 s6, $0x1;
	s6 =	sadd.s32 s21, s4  }
0xa3: {  	[timem:s8], [sflag:s22] =	dma.local [hbm:s6], s20  }
0xa4: {  	_ =	swait.ge [sflag:s22], s20  }
0xa5: {  	s5 =	ssub.s32 $0x0, s20;
	[sflag:s22] =	ssyncset.done $0x0  }
0xa6: {  	[sflag:s22] =	ssyncadd.s32 s5;
	_ =	sdelay $0x1  }
0xa7: {  	s23 =	simm.s32 $0x1B8B  }
0xa8: {  	_ =	swait.ge [sflag:s23], $0x1  }
0xa9: {  	[sflag:s23] =	ssyncset.done $0x0  }
0xaa: {  	s25 =	simm.s32 $0x1B8E;
	s24 =	sld [smem:$0x3FFE];
	[sflag:s23] =	ssyncadd.s32 $0xFFFFFFFF  }
0xab: {  	s26 =	simm.s32 $execute0_lowered;
	[smem:$0x3FD2] =	sst s25  }
0xac: {  	s6 =	sshll.u32 s26, $0x1;
	_ =	strace $0x80000046;
	[dreg:$0x1] =	wrdreg $0xFFFFFFFF  }
0xad: {  	s28 =	simm.s32 $_size_execute0_lowered;
	s4 =	sadd.s32 s4, s6;
	[dreg:$0x0] =	wrdreg $0x0  }
0xae: {  	s6 =	sshll.u32 s28, $0x1;
	[dreg:$0x2] =	wrdreg s4  }
0xaf: {  	[dreg:$0x3] =	wrdreg s6  }
0xb0: {  	[dreg:$0x4] =	wrdreg $0xC0  }
0xb1: {  	_ =	task [dreg:s8], $0x5FFFF  }
0xb2: {  	[dreg:$0x1] =	wrdreg $0xFFFFFFFF  }
0xb3: {  	[dreg:$0x0] =	wrdreg $0x60  }
0xb4: {  	[dreg:$0x2] =	wrdreg s17  }
0xb5: {  	[dreg:$0x3] =	wrdreg s24  }
0xb6: {  	[dreg:$0x4] =	wrdreg s16  }
0xb7: {  	[dreg:$0x5] =	wrdreg $0x0  }
0xb8: {  	[dreg:$0x6] =	wrdreg $0x13880  }
0xb9: {  	[dreg:$0x7] =	wrdreg $0x9  }
0xba: {  	_ =	task.clear_ibuf [dreg:s8], $0x8FFFF;
	_ =	strace $0x90000046  }
0xbb: {  	s29 =	simm.s32 $0x9;
	_ =	strace $0x80000048  }
0xbc: {  	_ =	swait.ge [sflag:s29], $0x1  }
0xbd: {  	[sflag:s29] =	ssyncadd.s32 $0xFFFFFFFF  }
0xbe: {  	_ =	strace $0x90000048  }
0xbf: {  	_ =	sfence  }
0xc0: {  	s30 =	sld [smem:$0x0];
	_ =	sdelay $0x2  }
0xc1: {  	s31 =	sshll.u32 s1, $0xD;
	s1 =	sshrl.u32 s1, $0x2  }
0xc2: {  	s3 =	sand.u32 $0x4000, s31;
	s1 =	sadd.s32 s1, s30  }
0xc3: {  	s0 =	sor.u32 s3, s0;
	s1 =	sshll.u32 s1, $0x11  }
0xc4: {  	s0 =	sor.u32 s1, s0  }
0xc5: {  	s0 =	sadd.s32 $0x8F2B, s0  }
0xc6: {  	[sflag:s0] =	ssyncadd.remote.s32 $0x1  }
0xc7: {  	_ =	sfence.sel $0xFFFF  }
0xc8: {  	[dreg:$0x0] =	wrdreg $0xFFFFFFFF;
	(pc) =	sbr.abs _section_cstart, $3  }
0xc9: {  	[dreg:$0x1] =	wrdreg $0xFFFFFFFF  }
0xca: {  	_ =	task.clear_ibuf [dreg:s8], $0x2FFFF;
	_ =	strace $0x9FFFFFFF  }
0xcb: {  	(tm) =	ssettm $0x7FFFFFFF  }
tec
execute0_lowered:
.L_overlay_start_1:
0x0: {  	(tag) =	ssettag $0x1  }
0x1: {  	s0 =	rddreg [dreg:$0x0]  }
0x2: {  	s5 =	rddreg [dreg:$0x1]  }
0x3: {  	s13 =	rddreg [dreg:$0x2]  }
0x4: {  	s2 =	rddreg [dreg:$0x3]  }
0x5: {  	s3 =	rddreg [dreg:$0x4];
	s4 =	srdreg.scid  }
0x6: {  	s1 =	stileid.u32;
	s17 =	simm.s32 $0x1;
	s18 =	simm.s32 $0x2  }
0x7: {  	s19 =	simm.s32 $0x50;
	s20 =	simm.s32 $0x7530;
	s21 =	simm.s32 $0x77B0  }
0x8: {  	s22 =	simm.s32 $0x7A30;
	s23 =	simm.s32 $0x7CB0;
	s24 =	simm.s32 $0x7F30  }
0x9: {  	s25 =	simm.s32 $0x3;
	s26 =	simm.s32 $0x4;
	s28 =	simm.s32 $0x0  }
0xa: {  	s8 =	sand.u32 $0x1, s4;
	s9 =	smul.u32 $0x1388, s1;
	s4 =	simm.s32 $0x0  }
0xb: {  	s6 =	sshll.u32 s1, $0x1;
	s7 =	smul.u32 $0x13880, s8;
	[smem:$0x7FF] =	sst s4  }
0xc: {  	s6 =	sor.u32 s8, s6;
	s10 =	ssub.s32 $0x2, s8;
	p0 =	seq.s32 s8, $0x1  }
0xd: {  	s6 =	smul.u32 $0x4E2, s6;
	_ =	strace $0x80000047;
	s11 =	sshrl.u32 s10, $0x1  }
0xe: {  	s16 =	sadd.s32 s9, s2;
	s30 =	sshrl.u32 s9, $0x3;
	s7 =	sadd.s32 s9, s7  }
0xf: {  	s31 =	sadd.s32 s9, s3;
	s15 =	ssub.s32 s10, s11;
	s7 =	sshrl.u32 s7, $0x3  }
0x10: {  	s12 =	sadd.s32 s6, s5;
	s6 =	sadd.s32 s0, s30;
	s14 =	sadd.s32 s7, s5  }
0x11: {  	s5 =	sshll.u32 s1, $0x6;
	s8 =	sadd.s32 $0xB200, s12;
	s9 =	sadd.s32 $0x1400, s12  }
0x12: {  	s10 =	smov.u32 s6;
	s12 =	smax.u32 s15, $0x1;
	s15 =	simm.s32 $0x2710  }
0x13: {  	s7 =	sor.u32 $0x1C01, s5;
	s11 =	sadd.s32 $0x15000, s14;
	s10 =	smov.u32 @p0 s13  }
0x14: {  	s13 =	sshrl.u32 s16, $0x3;
	s14 =	sshrl.u32 s31, $0x3;
	s16 =	simm.s32 $0x4E20  }
.LBB2_1:
0x15: {  	[spmem:s13], [sflag:s7] =	dma.local [hbm:s6], $0x271  }
0x16: {  	[spmem:s14], [sflag:s7] =	dma.local [hbm:s10], $0x271  }
0x17: {  	[tilespmem:s15], [sflag:$0x2] =	stream.linear.gather [hbm4b:s8+s4], $0x2710, $0x38;
	[tilespmem:$0x81B0] =	vst v63  }
0x18: {  	_ = 	snop  }
0x19: {  	[tilespmem:s16], [sflag:$0x2] =	stream.linear.gather [hbm4b:s9+s4], $0x2710, $0x38;
	[tilespmem:$0x81B0] =	vst v63  }
0x1a: {  	_ =	swait.ge [sflag:s17], $0x271  }
0x1b: {  	[sflag:s17] =	ssyncset.done $0x0  }
0x1c: {  	[sflag:s17] =	ssyncadd.s32 $0xFFFFFD8F  }
0x1d: {  	_ =	swait.ge [sflag:s17], $0x271  }
0x1e: {  	[sflag:s17] =	ssyncset.done $0x0  }
0x1f: {  	[sflag:s17] =	ssyncadd.s32 $0xFFFFFD8F  }
0x20: {  	[bflag:$0x0] =	sbarrier.arrive $0xFFFF  }
0x21: {  	_ =	swait.ge [sflag:s18], $0x2710  }
0x22: {  	[sflag:s18] =	ssyncset.done $0x0  }
0x23: {  	[sflag:s18] =	ssyncadd.s32 $0xFFFFD8F0  }
0x24: {  	_ =	swait.ge [sflag:s18], $0x2710  }
0x25: {  	[sflag:s18] =	ssyncset.done $0x0  }
0x26: {  	s0 =	simm.s32 $0x2710;
	[sflag:s18] =	ssyncadd.s32 $0xFFFFD8F0  }
0x27: {  	[tilespmem:s20], [sflag:$0x2] =	stream.indirect.gather [spmem:s2], $0x8, s0, s19, $0xb8;
	[tilespmem:$0x81B0] =	vst v63  }
0x28: {  	s31 =	simm.s32 $0x2760  }
0x29: {  	[tilespmem:s21], [sflag:$0x2] =	stream.indirect.gather [spmem:s2], $0x8, s31, s19, $0xb8;
	[tilespmem:$0x81B0] =	vst v63  }
0x2a: {  	s1 =	simm.s32 $0x27B0  }
0x2b: {  	[tilespmem:s22], [sflag:$0x2] =	stream.indirect.gather [spmem:s2], $0x8, s1, s19, $0xb8;
	[tilespmem:$0x81B0] =	vst v63  }
0x2c: {  	s31 =	simm.s32 $0x2800  }
0x2d: {  	[tilespmem:s23], [sflag:$0x2] =	stream.indirect.gather [spmem:s2], $0x8, s31, s19, $0xb8;
	[tilespmem:$0x81B0] =	vst v63  }
0x2e: {  	s1 =	simm.s32 $0x2850  }
0x2f: {  	[tilespmem:s24], [sflag:$0x2] =	stream.indirect.gather [spmem:s2], $0x8, s1, s19, $0xb8;
	[tilespmem:$0x81B0] =	vst v63  }
0x30: {  	_ =	swait.ge [sflag:s18], $0x280  }
0x31: {  	[sflag:s18] =	ssyncset.done $0x0  }
0x32: {  	[sflag:s18] =	ssyncadd.s32 $0xFFFFFD80  }
0x33: {  	_ =	swait.ge [sflag:s18], $0x280  }
0x34: {  	[sflag:s18] =	ssyncset.done $0x0  }
0x35: {  	[sflag:s18] =	ssyncadd.s32 $0xFFFFFD80  }
0x36: {  	_ =	swait.ge [sflag:s18], $0x280  }
0x37: {  	[sflag:s18] =	ssyncset.done $0x0  }
0x38: {  	[sflag:s18] =	ssyncadd.s32 $0xFFFFFD80  }
0x39: {  	_ =	swait.ge [sflag:s18], $0x280  }
0x3a: {  	[sflag:s18] =	ssyncset.done $0x0  }
0x3b: {  	[sflag:s18] =	ssyncadd.s32 $0xFFFFFD80  }
0x3c: {  	_ =	swait.ge [sflag:s18], $0x280  }
0x3d: {  	[sflag:s18] =	ssyncset.done $0x0  }
0x3e: {  	s31 =	simm.s32 $0x4E20;
	[sflag:s18] =	ssyncadd.s32 $0xFFFFFD80  }
0x3f: {  	[spmem:s3] =	stream.indirect.scatter.add.f32 [tilespmem:s20], [sflag:$0x3], $0x8, s31, s19, $0xb8;
	[tilespmem:$0x81B0] =	vst v63  }
0x40: {  	s1 =	simm.s32 $0x4E70  }
0x41: {  	[spmem:s3] =	stream.indirect.scatter.add.f32 [tilespmem:s21], [sflag:$0x3], $0x8, s1, s19, $0xb8;
	[tilespmem:$0x81B0] =	vst v63  }
0x42: {  	s31 =	simm.s32 $0x4EC0  }
0x43: {  	[spmem:s3] =	stream.indirect.scatter.add.f32 [tilespmem:s22], [sflag:$0x3], $0x8, s31, s19, $0xb8;
	[tilespmem:$0x81B0] =	vst v63  }
0x44: {  	s1 =	simm.s32 $0x4F10  }
0x45: {  	[spmem:s3] =	stream.indirect.scatter.add.f32 [tilespmem:s23], [sflag:$0x3], $0x8, s1, s19, $0xb8;
	[tilespmem:$0x81B0] =	vst v63  }
0x46: {  	s31 =	simm.s32 $0x4F60  }
0x47: {  	[spmem:s3] =	stream.indirect.scatter.add.f32 [tilespmem:s24], [sflag:$0x3], $0x8, s31, s19, $0xb8;
	[tilespmem:$0x81B0] =	vst v63  }
0x48: {  	_ =	swait.ge [sflag:s25], $0x280  }
0x49: {  	[sflag:s25] =	ssyncset.done $0x0  }
0x4a: {  	[sflag:s25] =	ssyncadd.s32 $0xFFFFFD80  }
0x4b: {  	_ =	swait.ge [sflag:s25], $0x280  }
0x4c: {  	[sflag:s25] =	ssyncset.done $0x0  }
0x4d: {  	[sflag:s25] =	ssyncadd.s32 $0xFFFFFD80  }
0x4e: {  	_ =	swait.ge [sflag:s25], $0x280  }
0x4f: {  	[sflag:s25] =	ssyncset.done $0x0  }
0x50: {  	[sflag:s25] =	ssyncadd.s32 $0xFFFFFD80  }
0x51: {  	_ =	swait.ge [sflag:s25], $0x280  }
0x52: {  	[sflag:s25] =	ssyncset.done $0x0  }
0x53: {  	[sflag:s25] =	ssyncadd.s32 $0xFFFFFD80  }
0x54: {  	_ =	swait.ge [sflag:s25], $0x280  }
0x55: {  	s30 =	simm.s32 $0xC80;
	s29 =	simm.s32 $0x190;
	[sflag:s25] =	ssyncset.done $0x0  }
.LBB2_2:
0x56: {  	s1 =	sadd.s32 $0x2710, s29  }
0x57: {  	[sflag:s25] =	ssyncadd.s32 $0xFFFFFD80;
	s31 =	smov.u32 s30;
	s0 =	sadd.s32 $0x640, s30  }
0x58: {  	[tilespmem:s20], [sflag:$0x2] =	stream.indirect.gather [spmem:s2], $0x8, s1, s19, $0xb8;
	[tilespmem:$0x81B0] =	vst v63  }
0x59: {  	p0 =	sne.s32 s30, $0x9600;
	s1 =	sadd.s32 $0x2760, s29  }
0x5a: {  	[tilespmem:s21], [sflag:$0x2] =	stream.indirect.gather [spmem:s2], $0x8, s1, s19, $0xb8;
	[tilespmem:$0x81B0] =	vst v63  }
0x5b: {  	s1 =	sadd.s32 $0x27B0, s29  }
0x5c: {  	[tilespmem:s22], [sflag:$0x2] =	stream.indirect.gather [spmem:s2], $0x8, s1, s19, $0xb8;
	[tilespmem:$0x81B0] =	vst v63  }
0x5d: {  	s1 =	sadd.s32 $0x2800, s29  }
0x5e: {  	[tilespmem:s23], [sflag:$0x2] =	stream.indirect.gather [spmem:s2], $0x8, s1, s19, $0xb8;
	[tilespmem:$0x81B0] =	vst v63  }
0x5f: {  	s1 =	sadd.s32 $0x2850, s29  }
0x60: {  	[tilespmem:s24], [sflag:$0x2] =	stream.indirect.gather [spmem:s2], $0x8, s1, s19, $0xb8;
	[tilespmem:$0x81B0] =	vst v63  }
0x61: {  	_ =	swait.ge [sflag:s18], $0x280  }
0x62: {  	[sflag:s18] =	ssyncset.done $0x0  }
0x63: {  	[sflag:s18] =	ssyncadd.s32 $0xFFFFFD80  }
0x64: {  	_ =	swait.ge [sflag:s18], $0x280  }
0x65: {  	[sflag:s18] =	ssyncset.done $0x0  }
0x66: {  	[sflag:s18] =	ssyncadd.s32 $0xFFFFFD80  }
0x67: {  	_ =	swait.ge [sflag:s18], $0x280  }
0x68: {  	[sflag:s18] =	ssyncset.done $0x0  }
0x69: {  	[sflag:s18] =	ssyncadd.s32 $0xFFFFFD80  }
0x6a: {  	_ =	swait.ge [sflag:s18], $0x280  }
0x6b: {  	[sflag:s18] =	ssyncset.done $0x0  }
0x6c: {  	[sflag:s18] =	ssyncadd.s32 $0xFFFFFD80  }
0x6d: {  	_ =	swait.ge [sflag:s18], $0x280  }
0x6e: {  	[sflag:s18] =	ssyncset.done $0x0  }
0x6f: {  	s1 =	sadd.s32 $0x4E20, s29;
	[sflag:s18] =	ssyncadd.s32 $0xFFFFFD80  }
0x70: {  	[spmem:s3] =	stream.indirect.scatter.add.f32 [tilespmem:s20], [sflag:$0x3], $0x8, s1, s19, $0xb8;
	[tilespmem:$0x81B0] =	vst v63  }
0x71: {  	s1 =	sadd.s32 $0x4E70, s29  }
0x72: {  	[spmem:s3] =	stream.indirect.scatter.add.f32 [tilespmem:s21], [sflag:$0x3], $0x8, s1, s19, $0xb8;
	[tilespmem:$0x81B0] =	vst v63  }
0x73: {  	s1 =	sadd.s32 $0x4EC0, s29  }
0x74: {  	[spmem:s3] =	stream.indirect.scatter.add.f32 [tilespmem:s22], [sflag:$0x3], $0x8, s1, s19, $0xb8;
	[tilespmem:$0x81B0] =	vst v63  }
0x75: {  	s1 =	sadd.s32 $0x4F10, s29  }
0x76: {  	[spmem:s3] =	stream.indirect.scatter.add.f32 [tilespmem:s23], [sflag:$0x3], $0x8, s1, s19, $0xb8;
	[tilespmem:$0x81B0] =	vst v63  }
0x77: {  	s1 =	sadd.s32 $0x4F60, s29  }
0x78: {  	[spmem:s3] =	stream.indirect.scatter.add.f32 [tilespmem:s24], [sflag:$0x3], $0x8, s1, s19, $0xb8;
	[tilespmem:$0x81B0] =	vst v63  }
0x79: {  	_ =	swait.ge [sflag:s25], $0x280  }
0x7a: {  	[sflag:s25] =	ssyncset.done $0x0  }
0x7b: {  	[sflag:s25] =	ssyncadd.s32 $0xFFFFFD80  }
0x7c: {  	_ =	swait.ge [sflag:s25], $0x280  }
0x7d: {  	[sflag:s25] =	ssyncset.done $0x0  }
0x7e: {  	[sflag:s25] =	ssyncadd.s32 $0xFFFFFD80  }
0x7f: {  	_ =	swait.ge [sflag:s25], $0x280  }
0x80: {  	[sflag:s25] =	ssyncset.done $0x0  }
0x81: {  	[sflag:s25] =	ssyncadd.s32 $0xFFFFFD80  }
.Ltmp0:
0x82: {  	_ =	swait.ge [sflag:s25], $0x280;
	(pc) =	sbr.rel @p0 .LBB2_2-.Ltmp0, $4  }
0x83: {  	[sflag:s25] =	ssyncset.done $0x0  }
0x84: {  	[sflag:s25] =	ssyncadd.s32 $0xFFFFFD80  }
0x85: {  	_ =	swait.ge [sflag:s25], $0x280  }
0x86: {  	s30 =	smov.u32 s0;
	s29 =	sshra.s32 s31, $0x2;
	[sflag:s25] =	ssyncset.done $0x0  }
0x87: {  	s0 =	sadd.s32 $0x2710, s29;
	[sflag:s25] =	ssyncadd.s32 $0xFFFFFD80  }
0x88: {  	[tilespmem:s20], [sflag:$0x2] =	stream.indirect.gather [spmem:s2], $0x8, s0, s19, $0xb8;
	[tilespmem:$0x81B0] =	vst v63  }
0x89: {  	s31 =	sadd.s32 $0x2760, s29  }
0x8a: {  	[tilespmem:s21], [sflag:$0x2] =	stream.indirect.gather [spmem:s2], $0x8, s31, s19, $0xb8;
	[tilespmem:$0x81B0] =	vst v63  }
0x8b: {  	s1 =	sadd.s32 $0x27B0, s29  }
0x8c: {  	[tilespmem:s22], [sflag:$0x2] =	stream.indirect.gather [spmem:s2], $0x8, s1, s19, $0xb8;
	[tilespmem:$0x81B0] =	vst v63  }
0x8d: {  	s30 =	sadd.s32 $0x2800, s29  }
0x8e: {  	[tilespmem:s23], [sflag:$0x2] =	stream.indirect.gather [spmem:s2], $0x8, s30, s19, $0xb8;
	[tilespmem:$0x81B0] =	vst v63  }
0x8f: {  	s31 =	sadd.s32 $0x2850, s29  }
0x90: {  	[tilespmem:s24], [sflag:$0x2] =	stream.indirect.gather [spmem:s2], $0x8, s31, s19, $0xb8;
	[tilespmem:$0x81B0] =	vst v63  }
0x91: {  	_ =	swait.ge [sflag:s18], $0x280  }
0x92: {  	[sflag:s18] =	ssyncset.done $0x0  }
0x93: {  	[sflag:s18] =	ssyncadd.s32 $0xFFFFFD80  }
0x94: {  	_ =	swait.ge [sflag:s18], $0x280  }
0x95: {  	[sflag:s18] =	ssyncset.done $0x0  }
0x96: {  	[sflag:s18] =	ssyncadd.s32 $0xFFFFFD80  }
0x97: {  	_ =	swait.ge [sflag:s18], $0x280  }
0x98: {  	[sflag:s18] =	ssyncset.done $0x0  }
0x99: {  	[sflag:s18] =	ssyncadd.s32 $0xFFFFFD80  }
0x9a: {  	_ =	swait.ge [sflag:s18], $0x280  }
0x9b: {  	[sflag:s18] =	ssyncset.done $0x0  }
0x9c: {  	[sflag:s18] =	ssyncadd.s32 $0xFFFFFD80  }
0x9d: {  	_ =	swait.ge [sflag:s18], $0x280  }
0x9e: {  	[sflag:s18] =	ssyncset.done $0x0  }
0x9f: {  	s1 =	sadd.s32 $0x4E20, s29;
	[sflag:s18] =	ssyncadd.s32 $0xFFFFFD80  }
0xa0: {  	[spmem:s3] =	stream.indirect.scatter.add.f32 [tilespmem:s20], [sflag:$0x3], $0x8, s1, s19, $0xb8;
	[tilespmem:$0x81B0] =	vst v63  }
0xa1: {  	s30 =	sadd.s32 $0x4E70, s29  }
0xa2: {  	[spmem:s3] =	stream.indirect.scatter.add.f32 [tilespmem:s21], [sflag:$0x3], $0x8, s30, s19, $0xb8;
	[tilespmem:$0x81B0] =	vst v63  }
0xa3: {  	s31 =	sadd.s32 $0x4EC0, s29  }
0xa4: {  	[spmem:s3] =	stream.indirect.scatter.add.f32 [tilespmem:s22], [sflag:$0x3], $0x8, s31, s19, $0xb8;
	[tilespmem:$0x81B0] =	vst v63  }
0xa5: {  	s1 =	sadd.s32 $0x4F10, s29  }
0xa6: {  	[spmem:s3] =	stream.indirect.scatter.add.f32 [tilespmem:s23], [sflag:$0x3], $0x8, s1, s19, $0xb8;
	[tilespmem:$0x81B0] =	vst v63  }
0xa7: {  	s30 =	sadd.s32 $0x4F60, s29  }
0xa8: {  	[spmem:s3] =	stream.indirect.scatter.add.f32 [tilespmem:s24], [sflag:$0x3], $0x8, s30, s19, $0xb8;
	[tilespmem:$0x81B0] =	vst v63  }
0xa9: {  	_ =	swait.ge [sflag:s25], $0x280  }
0xaa: {  	[sflag:s25] =	ssyncset.done $0x0  }
0xab: {  	[sflag:s25] =	ssyncadd.s32 $0xFFFFFD80  }
0xac: {  	_ =	swait.ge [sflag:s25], $0x280  }
0xad: {  	[sflag:s25] =	ssyncset.done $0x0  }
0xae: {  	[sflag:s25] =	ssyncadd.s32 $0xFFFFFD80  }
0xaf: {  	_ =	swait.ge [sflag:s25], $0x280  }
0xb0: {  	[sflag:s25] =	ssyncset.done $0x0  }
0xb1: {  	[sflag:s25] =	ssyncadd.s32 $0xFFFFFD80  }
0xb2: {  	_ =	swait.ge [sflag:s25], $0x280  }
0xb3: {  	[sflag:s25] =	ssyncset.done $0x0  }
0xb4: {  	[sflag:s25] =	ssyncadd.s32 $0xFFFFFD80  }
0xb5: {  	_ =	swait.ge [sflag:s25], $0x280  }
0xb6: {  	s28 =	sadd.s32 $0x1, s28;
	[sflag:s25] =	ssyncset.done $0x0  }
0xb7: {  	p0 =	sne.s32 s28, s12;
	[sflag:s25] =	ssyncadd.s32 $0xFFFFFD80  }
.Ltmp1:
0xb8: {  	s31 =	sor.u32 $0x1C04, s5;
	[bflag:$0x0] =	sbarrier.arrive $0xFFFF;
	(pc) =	sbr.rel @p0 .LBB2_1-.Ltmp1, $4  }
0xb9: {  	[hbm:s11], [sflag:s31] =	dma.local [spmem:s14], $0x271  }
0xba: {  	_ =	swait.ge [sflag:s26], $0x271  }
0xbb: {  	[sflag:s26] =	ssyncset.done $0x0  }
0xbc: {  	[sflag:s26] =	ssyncadd.s32 $0xFFFFFD8F  }
0xbd: {  	_ =	sfence.sel $0x180000  }
0xbe: {  	[bflag:$0x0] =	sbarrier.arrive $0xFFFF  }
0xbf: {  	_ =	strace $0x90000047  }
0xc0: {  	s0 =	stileid.u32;
	[bflag:$0x2] =	sbarrier.arrive $0xFFFF  }
0xc1: {  	p0 =	sne.s32 s0, $0x0;
	s0 =	rddreg [dreg:$0x5]  }
0xc2: {  	s0 =	sadd.s32 @!p0 $0x100000, s0  }
0xc3: {  	[sflag:s0] =	ssyncadd.tile.s32 @!p0 $0x1;
	_ =	shalt  }
.Lfunc_end2:
_tile_overlayer_lowered:
.L_overlay_start_2:
0xc4: {  	(tag) =	ssettag $0x2  }
0xc5: {  	s0 =	rddreg [dreg:$0x0];
	s2 =	stileid.u32  }
0xc6: {  	s1 =	rddreg [dreg:$0x1];
	p0 =	sne.s32 s2, $0x0  }
0xc7: {  	s3 =	rddreg [dreg:$0x2];
	[bflag:$0x3] =	sbarrier.arrive $0xFFFF;
	s2 =	simm.s32 @!p0 $0x1C04  }
0xc8: {  	[timem:s3], [sflag:s2] =	dma.local @!p0 [hbm:s0], s1  }
0xc9: {  	s0 =	simm.s32 @!p0 $0x4  }
0xca: {  	_ =	swait.ge @!p0 [sflag:s0], s1  }
0xcb: {  	s1 =	ssub.s32 @!p0 $0x0, s1;
	[sflag:s0] =	ssyncset.done @!p0 $0x0  }
0xcc: {  	[sflag:s0] =	ssyncadd.s32 @!p0 s1  }
0xcd: {  	[bflag:$0x3] =	sbarrier.arrive $0xFFFF  }
0xce: {  	_ =	shalt  }

</sc_bundles>
